<compile_context>
chip_gen: v7x
topology: tpu7x:2x2x1
jax: 0.10.2.dev20260603
libtpu: 0.0.44.dev20260713+nightly
codegen_flags: <defaults>
</compile_context>

<pallas_src>
import functools

import jax
import jax.numpy as jnp
from jax import lax
from jax.experimental import pallas as pl
from jax.experimental.pallas import tpu as pltpu
from jax.experimental.pallas import tpu_sc as plsc

_NUM_EMB = 1024
_DIM = 64
_N_TOK = 32768
_EPS = 1e-12

_BLK = 2048
_GRID = _N_TOK // _BLK
_CC = 256
_NCC = _NUM_EMB // _CC


def _argmin_body(
    x_ref, c_ref, used_ref, idx_ref, used_out_ref, perp_ref,
    acc_ref, dist_ref, cnb_ref,
):
    i = pl.program_id(0)

    @pl.when(i == 0)
    def _precompute():
        for j in range(_NCC):
            cj = c_ref[pl.ds(j * _CC, _CC), :]
            cn = jnp.sum(cj * cj, axis=1, keepdims=True)
            cnb_ref[pl.ds(j * _CC, _CC), :] = jnp.broadcast_to(cn, (_CC, _BLK))
        acc_ref[...] = jnp.zeros((_CC, _NCC), jnp.float32)

    x = x_ref[...]
    xm = -2.0 * x
    xsq = x * x
    ones_row = jnp.ones((1, _DIM), jnp.float32)
    x2row = lax.dot_general(
        ones_row, xsq, (((1,), (1,)), ((), ())), preferred_element_type=jnp.float32
    )

    run_min = jnp.full((1, _BLK), jnp.inf, jnp.float32)
    for j in range(_NCC):
        cj = c_ref[pl.ds(j * _CC, _CC), :]
        msim = lax.dot_general(
            cj, xm, (((1,), (1,)), ((), ())), preferred_element_type=jnp.float32
        )
        dist = (x2row + cnb_ref[pl.ds(j * _CC, _CC), :]) + msim
        dist_ref[pl.ds(j * _CC, _CC), :] = dist
        run_min = jnp.minimum(run_min, jnp.min(dist, axis=0, keepdims=True))

    ones = jnp.ones((_BLK, 1), jnp.float32)
    run_arg = jnp.full((1, _BLK), _NUM_EMB, jnp.int32)
    cnts = []
    for j in range(_NCC):
        dist = dist_ref[pl.ds(j * _CC, _CC), :]
        hit = dist == run_min
        row_iota = lax.broadcasted_iota(jnp.int32, (_CC, _BLK), 0)
        cand = jnp.where(hit, row_iota + j * _CC, _NUM_EMB)
        run_arg = jnp.minimum(run_arg, jnp.min(cand, axis=0, keepdims=True))
        eq = jnp.where(hit, 1.0, 0.0)
        cnts.append(
            lax.dot_general(
                eq, ones, (((1,), (0,)), ((), ())), preferred_element_type=jnp.float32
            )
        )
    idx_ref[...] = run_arg.reshape(_BLK)
    acc_ref[...] += jnp.concatenate(cnts, axis=1)

    @pl.when(i == _GRID - 1)
    def _finish():
        counts = acc_ref[...]
        used_out_ref[...] = used_ref[...] + counts.astype(jnp.int32)
        p = counts * (1.0 / _N_TOK)
        perp = jnp.exp(-jnp.sum(p * jnp.log(p + _EPS), axis=(0, 1), keepdims=True))
        perp_ref[...] = perp


def _argmin_counts(flat, codebooks, used_t):
    return pl.pallas_call(
        _argmin_body,
        grid=(_GRID,),
        in_specs=[
            pl.BlockSpec((_BLK, _DIM), lambda i: (i, 0)),
            pl.BlockSpec((_NUM_EMB, _DIM), lambda i: (0, 0)),
            pl.BlockSpec((_CC, _NCC), lambda i: (0, 0)),
        ],
        out_specs=[
            pl.BlockSpec((_BLK,), lambda i: (i,)),
            pl.BlockSpec((_CC, _NCC), lambda i: (0, 0)),
            pl.BlockSpec((1, 1), lambda i: (0, 0)),
        ],
        out_shape=[
            jax.ShapeDtypeStruct((_N_TOK,), jnp.int32),
            jax.ShapeDtypeStruct((_CC, _NCC), jnp.int32),
            jax.ShapeDtypeStruct((1, 1), jnp.float32),
        ],
        scratch_shapes=[
            pltpu.VMEM((_CC, _NCC), jnp.float32),
            pltpu.VMEM((_NUM_EMB, _BLK), jnp.float32),
            pltpu.VMEM((_NUM_EMB, _BLK), jnp.float32),
        ],
    )(flat, codebooks, used_t)


_NW = 32
_BPW = _N_TOK // _NW
_CH = 128
_NCH = _BPW // _CH


@functools.lru_cache(maxsize=1)
def _get_sc_gather():
    info = plsc.get_sparse_core_info()
    nc = info.num_cores
    assert nc * info.num_subcores == _NW

    @functools.partial(
        pl.kernel,
        mesh=plsc.VectorSubcoreMesh(core_axis_name="c", subcore_axis_name="s"),
        out_type=jax.ShapeDtypeStruct((_N_TOK, _DIM), jnp.float32),
        scratch_types=[
            pltpu.VMEM((_BPW,), jnp.int32),
            pltpu.VMEM((_BPW, _DIM), jnp.float32),
            pltpu.SemaphoreType.DMA,
        ],
        compiler_params=pltpu.CompilerParams(use_tc_tiling_on_sc=False),
    )
    def _sc_gather(c_hbm, idx_hbm, out_hbm, idx_v, rows_v, sem):
        wid = lax.axis_index("s") * nc + lax.axis_index("c")
        base = wid * _BPW
        pltpu.sync_copy(idx_hbm.at[pl.ds(base, _BPW)], idx_v)
        handles = []
        for ch in range(_NCH):
            handles.append(
                pltpu.async_copy(
                    c_hbm.at[idx_v.at[pl.ds(ch * _CH, _CH)]],
                    rows_v.at[pl.ds(ch * _CH, _CH)],
                    sem,
                )
            )
        for h in handles:
            h.wait()
        pltpu.sync_copy(rows_v, out_hbm.at[pl.ds(base, _BPW)])

    return _sc_gather


def kernel(input_data, codebooks, codebooks_used):
    flat = input_data.reshape(-1, _DIM)
    used_t = codebooks_used.reshape(_NCC, _CC).T
    idx_flat, used_out, perp = _argmin_counts(flat, codebooks, used_t)
    quantized = _get_sc_gather()(codebooks, idx_flat)
    quantized = quantized.reshape(input_data.shape[:-1] + (_DIM,))
    return (quantized, perp[0, 0], used_out.T.reshape(_NUM_EMB))

# --- scband reference (transcript-rebuilt; emitter-appended) ---
"""Pipeline reference for scband-nsvq-20744692040084 (READ-ONLY COPY).

The authoritative reference and input builder live on the scoring server;
editing this copy changes nothing except your own understanding.
"""

import jax, jax.numpy as jnp
import numpy as np

NUM_EMBEDDINGS = 1024
EMBEDDING_DIM = 64
EPS = 1e-12
N_TOKENS = 32768


def setup_inputs(seed: int = 0) -> dict:
    key = jax.random.key(seed)
    k1, k2 = jax.random.split(key)
    input_data = jax.random.normal(k1, (N_TOKENS, EMBEDDING_DIM), dtype=jnp.float32)
    # HeUniform init for codebooks: limit = sqrt(6 / fan_in), fan_in = embedding_dim
    limit = float(np.sqrt(6.0 / EMBEDDING_DIM))
    codebooks = jax.random.uniform(k2, (NUM_EMBEDDINGS, EMBEDDING_DIM), minval=-limit, maxval=limit, dtype=jnp.float32)
    codebooks_used = jnp.zeros((NUM_EMBEDDINGS,), dtype=jnp.int32)
    return {"input_data": input_data, "codebooks": codebooks, "codebooks_used": codebooks_used}


def reference(input_data, codebooks, codebooks_used):
    # inference path (training=None -> not training)
    flattened = input_data.reshape(-1, EMBEDDING_DIM)
    similarity = flattened @ codebooks.T
    distances = (jnp.sum(flattened ** 2, axis=1, keepdims=True)
                 + jnp.sum(codebooks.T ** 2, axis=0)
                 - 2.0 * similarity)
    min_indices = jnp.argmin(distances, axis=1)
    hard_quantized = jnp.take(codebooks, min_indices, axis=0)
    quantized_input = hard_quantized.reshape(input_data.shape[:-1] + (EMBEDDING_DIM,))
    encodings = jax.nn.one_hot(min_indices, NUM_EMBEDDINGS, dtype=jnp.float32)
    avg_probs = jnp.mean(encodings, axis=0)
    perplexity = jnp.exp(-jnp.sum(avg_probs * jnp.log(avg_probs + EPS)))
    counts = jnp.bincount(min_indices.astype(jnp.int32), length=NUM_EMBEDDINGS).astype(jnp.int32)
    codebooks_used_new = codebooks_used + counts
    return (quantized_input, perplexity, codebooks_used_new)

if __name__ == "__main__":
    import jax
    _d = setup_inputs()
    print(jax.jit(kernel)(*tuple(_d.values())))

</pallas_src>

<mosaic_0001>
#map = affine_map<(d0, d1) -> (0, 0)>
#map1 = affine_map<(d0, d1) -> (0)>
module attributes {stable_mosaic.version = 14 : i64} {
  func.func @_sc_gather(%arg0: i32, %arg1: i32, %arg2: memref<1024x64xf32, #tpu.memory_space<hbm>>, %arg3: memref<32768xi32, #tpu.memory_space<hbm>>, %arg4: memref<32768x64xf32, #tpu.memory_space<hbm>>, %arg5: memref<1024xi32, #tpu.memory_space<vmem>>, %arg6: memref<1024x64xf32, #tpu.memory_space<vmem>>, %arg7: memref<!tpu.dma_semaphore, #tpu.memory_space<semaphore_mem>>) attributes {dimension_semantics = [#tpu.dimension_semantics<core_parallel>, #tpu.dimension_semantics<subcore_parallel>], iteration_bounds = array<i64: 2, 16>, scalar_prefetch = 0 : i64, scratch_operands = 3 : i64, tpu.core_type = #tpu.core_type<sc_vector_subcore>, window_params = [{transform_indices = #map}, {transform_indices = #map1}, {transform_indices = #map}]} {
    %mul3A = arith.constant 2 : i32
    %mul3A_0 = arith.muli %arg1, %mul3A : i32
    %add3A = arith.addi %mul3A_0, %arg0 : i32
    %mul3A_1 = arith.constant 1024 : i32
    %mul3A_2 = arith.muli %add3A, %mul3A_1 : i32
    "tpu.region"() ({
      %run_scoped3A = tpu.sem_alloc : memref<!tpu.dma_semaphore, #tpu.memory_space<semaphore_mem>>
      %dma_start3A_129 = tpu.memref_slice %arg3[%mul3A_2] : memref<32768xi32, #tpu.memory_space<hbm>> -> memref<1024xi32, #tpu.memory_space<hbm>>
      %dma_start3A_130 = tpu.memref_slice %arg3[%mul3A_2] : memref<32768xi32, #tpu.memory_space<hbm>> -> memref<1024xi32, #tpu.memory_space<hbm>>
      tpu.enqueue_dma source(%dma_start3A_130 : memref<1024xi32, #tpu.memory_space<hbm>>) target(%arg5 : memref<1024xi32, #tpu.memory_space<vmem>>) target_semaphore(%run_scoped3A : memref<!tpu.dma_semaphore, #tpu.memory_space<semaphore_mem>>)
      %dma_wait3A_131 = tpu.memref_slice %arg3[%mul3A_2] : memref<32768xi32, #tpu.memory_space<hbm>> -> memref<1024xi32, #tpu.memory_space<hbm>>
      %dma_wait3A_132 = tpu.memref_slice %arg3[%mul3A_2] : memref<32768xi32, #tpu.memory_space<hbm>> -> memref<1024xi32, #tpu.memory_space<hbm>>
      tpu.wait_dma2 semaphore(%run_scoped3A : memref<!tpu.dma_semaphore, #tpu.memory_space<semaphore_mem>>) src(%dma_wait3A_132 : memref<1024xi32, #tpu.memory_space<hbm>>) dst(%arg5 : memref<1024xi32, #tpu.memory_space<vmem>>)
      tpu.yield
    }) : () -> ()
    %dma_start3A = arith.constant 0 : i32
    %dma_start3A_3 = arith.constant 0 : i32
    %dma_start3A_4 = tpu.memref_slice %arg6[%dma_start3A, %dma_start3A_3] : memref<1024x64xf32, #tpu.memory_space<vmem>> -> memref<128x64xf32, #tpu.memory_space<vmem>>
    %dma_start3A_5 = arith.constant 0 : i32
    %dma_start3A_6 = tpu.memref_slice %arg5[%dma_start3A_5] : memref<1024xi32, #tpu.memory_space<vmem>> -> memref<128xi32, #tpu.memory_space<vmem>>
    %dma_start3A_7 = arith.constant 0 : i32
    %dma_start3A_8 = arith.constant 0 : i32
    %dma_start3A_9 = tpu.memref_slice %arg2[%dma_start3A_7, %dma_start3A_8] : memref<1024x64xf32, #tpu.memory_space<hbm>> -> memref<1024x64xf32, #tpu.memory_space<hbm>>
    tpu.enqueue_indirect_dma source(%dma_start3A_9 : memref<1024x64xf32, #tpu.memory_space<hbm>>) target(%dma_start3A_4 : memref<128x64xf32, #tpu.memory_space<vmem>>) offsets(%dma_start3A_6 : memref<128xi32, #tpu.memory_space<vmem>>) semaphore(%arg7 : memref<!tpu.dma_semaphore, #tpu.memory_space<semaphore_mem>>)
    %dma_start3A_10 = arith.constant 128 : i32
    %dma_start3A_11 = arith.constant 0 : i32
    %dma_start3A_12 = tpu.memref_slice %arg6[%dma_start3A_10, %dma_start3A_11] : memref<1024x64xf32, #tpu.memory_space<vmem>> -> memref<128x64xf32, #tpu.memory_space<vmem>>
    %dma_start3A_13 = arith.constant 128 : i32
    %dma_start3A_14 = tpu.memref_slice %arg5[%dma_start3A_13] : memref<1024xi32, #tpu.memory_space<vmem>> -> memref<128xi32, #tpu.memory_space<vmem>>
    %dma_start3A_15 = arith.constant 0 : i32
    %dma_start3A_16 = arith.constant 0 : i32
    %dma_start3A_17 = tpu.memref_slice %arg2[%dma_start3A_15, %dma_start3A_16] : memref<1024x64xf32, #tpu.memory_space<hbm>> -> memref<1024x64xf32, #tpu.memory_space<hbm>>
    tpu.enqueue_indirect_dma source(%dma_start3A_17 : memref<1024x64xf32, #tpu.memory_space<hbm>>) target(%dma_start3A_12 : memref<128x64xf32, #tpu.memory_space<vmem>>) offsets(%dma_start3A_14 : memref<128xi32, #tpu.memory_space<vmem>>) semaphore(%arg7 : memref<!tpu.dma_semaphore, #tpu.memory_space<semaphore_mem>>)
    %dma_start3A_18 = arith.constant 256 : i32
    %dma_start3A_19 = arith.constant 0 : i32
    %dma_start3A_20 = tpu.memref_slice %arg6[%dma_start3A_18, %dma_start3A_19] : memref<1024x64xf32, #tpu.memory_space<vmem>> -> memref<128x64xf32, #tpu.memory_space<vmem>>
    %dma_start3A_21 = arith.constant 256 : i32
    %dma_start3A_22 = tpu.memref_slice %arg5[%dma_start3A_21] : memref<1024xi32, #tpu.memory_space<vmem>> -> memref<128xi32, #tpu.memory_space<vmem>>
    %dma_start3A_23 = arith.constant 0 : i32
    %dma_start3A_24 = arith.constant 0 : i32
    %dma_start3A_25 = tpu.memref_slice %arg2[%dma_start3A_23, %dma_start3A_24] : memref<1024x64xf32, #tpu.memory_space<hbm>> -> memref<1024x64xf32, #tpu.memory_space<hbm>>
    tpu.enqueue_indirect_dma source(%dma_start3A_25 : memref<1024x64xf32, #tpu.memory_space<hbm>>) target(%dma_start3A_20 : memref<128x64xf32, #tpu.memory_space<vmem>>) offsets(%dma_start3A_22 : memref<128xi32, #tpu.memory_space<vmem>>) semaphore(%arg7 : memref<!tpu.dma_semaphore, #tpu.memory_space<semaphore_mem>>)
    %dma_start3A_26 = arith.constant 384 : i32
    %dma_start3A_27 = arith.constant 0 : i32
    %dma_start3A_28 = tpu.memref_slice %arg6[%dma_start3A_26, %dma_start3A_27] : memref<1024x64xf32, #tpu.memory_space<vmem>> -> memref<128x64xf32, #tpu.memory_space<vmem>>
    %dma_start3A_29 = arith.constant 384 : i32
    %dma_start3A_30 = tpu.memref_slice %arg5[%dma_start3A_29] : memref<1024xi32, #tpu.memory_space<vmem>> -> memref<128xi32, #tpu.memory_space<vmem>>
    %dma_start3A_31 = arith.constant 0 : i32
    %dma_start3A_32 = arith.constant 0 : i32
    %dma_start3A_33 = tpu.memref_slice %arg2[%dma_start3A_31, %dma_start3A_32] : memref<1024x64xf32, #tpu.memory_space<hbm>> -> memref<1024x64xf32, #tpu.memory_space<hbm>>
    tpu.enqueue_indirect_dma source(%dma_start3A_33 : memref<1024x64xf32, #tpu.memory_space<hbm>>) target(%dma_start3A_28 : memref<128x64xf32, #tpu.memory_space<vmem>>) offsets(%dma_start3A_30 : memref<128xi32, #tpu.memory_space<vmem>>) semaphore(%arg7 : memref<!tpu.dma_semaphore, #tpu.memory_space<semaphore_mem>>)
    %dma_start3A_34 = arith.constant 512 : i32
    %dma_start3A_35 = arith.constant 0 : i32
    %dma_start3A_36 = tpu.memref_slice %arg6[%dma_start3A_34, %dma_start3A_35] : memref<1024x64xf32, #tpu.memory_space<vmem>> -> memref<128x64xf32, #tpu.memory_space<vmem>>
    %dma_start3A_37 = arith.constant 512 : i32
    %dma_start3A_38 = tpu.memref_slice %arg5[%dma_start3A_37] : memref<1024xi32, #tpu.memory_space<vmem>> -> memref<128xi32, #tpu.memory_space<vmem>>
    %dma_start3A_39 = arith.constant 0 : i32
    %dma_start3A_40 = arith.constant 0 : i32
    %dma_start3A_41 = tpu.memref_slice %arg2[%dma_start3A_39, %dma_start3A_40] : memref<1024x64xf32, #tpu.memory_space<hbm>> -> memref<1024x64xf32, #tpu.memory_space<hbm>>
    tpu.enqueue_indirect_dma source(%dma_start3A_41 : memref<1024x64xf32, #tpu.memory_space<hbm>>) target(%dma_start3A_36 : memref<128x64xf32, #tpu.memory_space<vmem>>) offsets(%dma_start3A_38 : memref<128xi32, #tpu.memory_space<vmem>>) semaphore(%arg7 : memref<!tpu.dma_semaphore, #tpu.memory_space<semaphore_mem>>)
    %dma_start3A_42 = arith.constant 640 : i32
    %dma_start3A_43 = arith.constant 0 : i32
    %dma_start3A_44 = tpu.memref_slice %arg6[%dma_start3A_42, %dma_start3A_43] : memref<1024x64xf32, #tpu.memory_space<vmem>> -> memref<128x64xf32, #tpu.memory_space<vmem>>
    %dma_start3A_45 = arith.constant 640 : i32
    %dma_start3A_46 = tpu.memref_slice %arg5[%dma_start3A_45] : memref<1024xi32, #tpu.memory_space<vmem>> -> memref<128xi32, #tpu.memory_space<vmem>>
    %dma_start3A_47 = arith.constant 0 : i32
    %dma_start3A_48 = arith.constant 0 : i32
    %dma_start3A_49 = tpu.memref_slice %arg2[%dma_start3A_47, %dma_start3A_48] : memref<1024x64xf32, #tpu.memory_space<hbm>> -> memref<1024x64xf32, #tpu.memory_space<hbm>>
    tpu.enqueue_indirect_dma source(%dma_start3A_49 : memref<1024x64xf32, #tpu.memory_space<hbm>>) target(%dma_start3A_44 : memref<128x64xf32, #tpu.memory_space<vmem>>) offsets(%dma_start3A_46 : memref<128xi32, #tpu.memory_space<vmem>>) semaphore(%arg7 : memref<!tpu.dma_semaphore, #tpu.memory_space<semaphore_mem>>)
    %dma_start3A_50 = arith.constant 768 : i32
    %dma_start3A_51 = arith.constant 0 : i32
    %dma_start3A_52 = tpu.memref_slice %arg6[%dma_start3A_50, %dma_start3A_51] : memref<1024x64xf32, #tpu.memory_space<vmem>> -> memref<128x64xf32, #tpu.memory_space<vmem>>
    %dma_start3A_53 = arith.constant 768 : i32
    %dma_start3A_54 = tpu.memref_slice %arg5[%dma_start3A_53] : memref<1024xi32, #tpu.memory_space<vmem>> -> memref<128xi32, #tpu.memory_space<vmem>>
    %dma_start3A_55 = arith.constant 0 : i32
    %dma_start3A_56 = arith.constant 0 : i32
    %dma_start3A_57 = tpu.memref_slice %arg2[%dma_start3A_55, %dma_start3A_56] : memref<1024x64xf32, #tpu.memory_space<hbm>> -> memref<1024x64xf32, #tpu.memory_space<hbm>>
    tpu.enqueue_indirect_dma source(%dma_start3A_57 : memref<1024x64xf32, #tpu.memory_space<hbm>>) target(%dma_start3A_52 : memref<128x64xf32, #tpu.memory_space<vmem>>) offsets(%dma_start3A_54 : memref<128xi32, #tpu.memory_space<vmem>>) semaphore(%arg7 : memref<!tpu.dma_semaphore, #tpu.memory_space<semaphore_mem>>)
    %dma_start3A_58 = arith.constant 896 : i32
    %dma_start3A_59 = arith.constant 0 : i32
    %dma_start3A_60 = tpu.memref_slice %arg6[%dma_start3A_58, %dma_start3A_59] : memref<1024x64xf32, #tpu.memory_space<vmem>> -> memref<128x64xf32, #tpu.memory_space<vmem>>
    %dma_start3A_61 = arith.constant 896 : i32
    %dma_start3A_62 = tpu.memref_slice %arg5[%dma_start3A_61] : memref<1024xi32, #tpu.memory_space<vmem>> -> memref<128xi32, #tpu.memory_space<vmem>>
    %dma_start3A_63 = arith.constant 0 : i32
    %dma_start3A_64 = arith.constant 0 : i32
    %dma_start3A_65 = tpu.memref_slice %arg2[%dma_start3A_63, %dma_start3A_64] : memref<1024x64xf32, #tpu.memory_space<hbm>> -> memref<1024x64xf32, #tpu.memory_space<hbm>>
    tpu.enqueue_indirect_dma source(%dma_start3A_65 : memref<1024x64xf32, #tpu.memory_space<hbm>>) target(%dma_start3A_60 : memref<128x64xf32, #tpu.memory_space<vmem>>) offsets(%dma_start3A_62 : memref<128xi32, #tpu.memory_space<vmem>>) semaphore(%arg7 : memref<!tpu.dma_semaphore, #tpu.memory_space<semaphore_mem>>)
    %dma_wait3A = arith.constant 0 : i32
    %dma_wait3A_66 = arith.constant 0 : i32
    %dma_wait3A_67 = tpu.memref_slice %arg6[%dma_wait3A, %dma_wait3A_66] : memref<1024x64xf32, #tpu.memory_space<vmem>> -> memref<128x64xf32, #tpu.memory_space<vmem>>
    %dma_wait3A_68 = arith.constant 0 : i32
    %dma_wait3A_69 = tpu.memref_slice %arg5[%dma_wait3A_68] : memref<1024xi32, #tpu.memory_space<vmem>> -> memref<128xi32, #tpu.memory_space<vmem>>
    %dma_wait3A_70 = arith.constant 0 : i32
    %dma_wait3A_71 = arith.constant 0 : i32
    %dma_wait3A_72 = tpu.memref_slice %arg2[%dma_wait3A_70, %dma_wait3A_71] : memref<1024x64xf32, #tpu.memory_space<hbm>> -> memref<1024x64xf32, #tpu.memory_space<hbm>>
    tpu.wait_indirect_dma semaphore(%arg7 : memref<!tpu.dma_semaphore, #tpu.memory_space<semaphore_mem>>) src(%dma_wait3A_72 : memref<1024x64xf32, #tpu.memory_space<hbm>>) dst(%dma_wait3A_67 : memref<128x64xf32, #tpu.memory_space<vmem>>)
    %dma_wait3A_73 = arith.constant 128 : i32
    %dma_wait3A_74 = arith.constant 0 : i32
    %dma_wait3A_75 = tpu.memref_slice %arg6[%dma_wait3A_73, %dma_wait3A_74] : memref<1024x64xf32, #tpu.memory_space<vmem>> -> memref<128x64xf32, #tpu.memory_space<vmem>>
    %dma_wait3A_76 = arith.constant 128 : i32
    %dma_wait3A_77 = tpu.memref_slice %arg5[%dma_wait3A_76] : memref<1024xi32, #tpu.memory_space<vmem>> -> memref<128xi32, #tpu.memory_space<vmem>>
    %dma_wait3A_78 = arith.constant 0 : i32
    %dma_wait3A_79 = arith.constant 0 : i32
    %dma_wait3A_80 = tpu.memref_slice %arg2[%dma_wait3A_78, %dma_wait3A_79] : memref<1024x64xf32, #tpu.memory_space<hbm>> -> memref<1024x64xf32, #tpu.memory_space<hbm>>
    tpu.wait_indirect_dma semaphore(%arg7 : memref<!tpu.dma_semaphore, #tpu.memory_space<semaphore_mem>>) src(%dma_wait3A_80 : memref<1024x64xf32, #tpu.memory_space<hbm>>) dst(%dma_wait3A_75 : memref<128x64xf32, #tpu.memory_space<vmem>>)
    %dma_wait3A_81 = arith.constant 256 : i32
    %dma_wait3A_82 = arith.constant 0 : i32
    %dma_wait3A_83 = tpu.memref_slice %arg6[%dma_wait3A_81, %dma_wait3A_82] : memref<1024x64xf32, #tpu.memory_space<vmem>> -> memref<128x64xf32, #tpu.memory_space<vmem>>
    %dma_wait3A_84 = arith.constant 256 : i32
    %dma_wait3A_85 = tpu.memref_slice %arg5[%dma_wait3A_84] : memref<1024xi32, #tpu.memory_space<vmem>> -> memref<128xi32, #tpu.memory_space<vmem>>
    %dma_wait3A_86 = arith.constant 0 : i32
    %dma_wait3A_87 = arith.constant 0 : i32
    %dma_wait3A_88 = tpu.memref_slice %arg2[%dma_wait3A_86, %dma_wait3A_87] : memref<1024x64xf32, #tpu.memory_space<hbm>> -> memref<1024x64xf32, #tpu.memory_space<hbm>>
    tpu.wait_indirect_dma semaphore(%arg7 : memref<!tpu.dma_semaphore, #tpu.memory_space<semaphore_mem>>) src(%dma_wait3A_88 : memref<1024x64xf32, #tpu.memory_space<hbm>>) dst(%dma_wait3A_83 : memref<128x64xf32, #tpu.memory_space<vmem>>)
    %dma_wait3A_89 = arith.constant 384 : i32
    %dma_wait3A_90 = arith.constant 0 : i32
    %dma_wait3A_91 = tpu.memref_slice %arg6[%dma_wait3A_89, %dma_wait3A_90] : memref<1024x64xf32, #tpu.memory_space<vmem>> -> memref<128x64xf32, #tpu.memory_space<vmem>>
    %dma_wait3A_92 = arith.constant 384 : i32
    %dma_wait3A_93 = tpu.memref_slice %arg5[%dma_wait3A_92] : memref<1024xi32, #tpu.memory_space<vmem>> -> memref<128xi32, #tpu.memory_space<vmem>>
    %dma_wait3A_94 = arith.constant 0 : i32
    %dma_wait3A_95 = arith.constant 0 : i32
    %dma_wait3A_96 = tpu.memref_slice %arg2[%dma_wait3A_94, %dma_wait3A_95] : memref<1024x64xf32, #tpu.memory_space<hbm>> -> memref<1024x64xf32, #tpu.memory_space<hbm>>
    tpu.wait_indirect_dma semaphore(%arg7 : memref<!tpu.dma_semaphore, #tpu.memory_space<semaphore_mem>>) src(%dma_wait3A_96 : memref<1024x64xf32, #tpu.memory_space<hbm>>) dst(%dma_wait3A_91 : memref<128x64xf32, #tpu.memory_space<vmem>>)
    %dma_wait3A_97 = arith.constant 512 : i32
    %dma_wait3A_98 = arith.constant 0 : i32
    %dma_wait3A_99 = tpu.memref_slice %arg6[%dma_wait3A_97, %dma_wait3A_98] : memref<1024x64xf32, #tpu.memory_space<vmem>> -> memref<128x64xf32, #tpu.memory_space<vmem>>
    %dma_wait3A_100 = arith.constant 512 : i32
    %dma_wait3A_101 = tpu.memref_slice %arg5[%dma_wait3A_100] : memref<1024xi32, #tpu.memory_space<vmem>> -> memref<128xi32, #tpu.memory_space<vmem>>
    %dma_wait3A_102 = arith.constant 0 : i32
    %dma_wait3A_103 = arith.constant 0 : i32
    %dma_wait3A_104 = tpu.memref_slice %arg2[%dma_wait3A_102, %dma_wait3A_103] : memref<1024x64xf32, #tpu.memory_space<hbm>> -> memref<1024x64xf32, #tpu.memory_space<hbm>>
    tpu.wait_indirect_dma semaphore(%arg7 : memref<!tpu.dma_semaphore, #tpu.memory_space<semaphore_mem>>) src(%dma_wait3A_104 : memref<1024x64xf32, #tpu.memory_space<hbm>>) dst(%dma_wait3A_99 : memref<128x64xf32, #tpu.memory_space<vmem>>)
    %dma_wait3A_105 = arith.constant 640 : i32
    %dma_wait3A_106 = arith.constant 0 : i32
    %dma_wait3A_107 = tpu.memref_slice %arg6[%dma_wait3A_105, %dma_wait3A_106] : memref<1024x64xf32, #tpu.memory_space<vmem>> -> memref<128x64xf32, #tpu.memory_space<vmem>>
    %dma_wait3A_108 = arith.constant 640 : i32
    %dma_wait3A_109 = tpu.memref_slice %arg5[%dma_wait3A_108] : memref<1024xi32, #tpu.memory_space<vmem>> -> memref<128xi32, #tpu.memory_space<vmem>>
    %dma_wait3A_110 = arith.constant 0 : i32
    %dma_wait3A_111 = arith.constant 0 : i32
    %dma_wait3A_112 = tpu.memref_slice %arg2[%dma_wait3A_110, %dma_wait3A_111] : memref<1024x64xf32, #tpu.memory_space<hbm>> -> memref<1024x64xf32, #tpu.memory_space<hbm>>
    tpu.wait_indirect_dma semaphore(%arg7 : memref<!tpu.dma_semaphore, #tpu.memory_space<semaphore_mem>>) src(%dma_wait3A_112 : memref<1024x64xf32, #tpu.memory_space<hbm>>) dst(%dma_wait3A_107 : memref<128x64xf32, #tpu.memory_space<vmem>>)
    %dma_wait3A_113 = arith.constant 768 : i32
    %dma_wait3A_114 = arith.constant 0 : i32
    %dma_wait3A_115 = tpu.memref_slice %arg6[%dma_wait3A_113, %dma_wait3A_114] : memref<1024x64xf32, #tpu.memory_space<vmem>> -> memref<128x64xf32, #tpu.memory_space<vmem>>
    %dma_wait3A_116 = arith.constant 768 : i32
    %dma_wait3A_117 = tpu.memref_slice %arg5[%dma_wait3A_116] : memref<1024xi32, #tpu.memory_space<vmem>> -> memref<128xi32, #tpu.memory_space<vmem>>
    %dma_wait3A_118 = arith.constant 0 : i32
    %dma_wait3A_119 = arith.constant 0 : i32
    %dma_wait3A_120 = tpu.memref_slice %arg2[%dma_wait3A_118, %dma_wait3A_119] : memref<1024x64xf32, #tpu.memory_space<hbm>> -> memref<1024x64xf32, #tpu.memory_space<hbm>>
    tpu.wait_indirect_dma semaphore(%arg7 : memref<!tpu.dma_semaphore, #tpu.memory_space<semaphore_mem>>) src(%dma_wait3A_120 : memref<1024x64xf32, #tpu.memory_space<hbm>>) dst(%dma_wait3A_115 : memref<128x64xf32, #tpu.memory_space<vmem>>)
    %dma_wait3A_121 = arith.constant 896 : i32
    %dma_wait3A_122 = arith.constant 0 : i32
    %dma_wait3A_123 = tpu.memref_slice %arg6[%dma_wait3A_121, %dma_wait3A_122] : memref<1024x64xf32, #tpu.memory_space<vmem>> -> memref<128x64xf32, #tpu.memory_space<vmem>>
    %dma_wait3A_124 = arith.constant 896 : i32
    %dma_wait3A_125 = tpu.memref_slice %arg5[%dma_wait3A_124] : memref<1024xi32, #tpu.memory_space<vmem>> -> memref<128xi32, #tpu.memory_space<vmem>>
    %dma_wait3A_126 = arith.constant 0 : i32
    %dma_wait3A_127 = arith.constant 0 : i32
    %dma_wait3A_128 = tpu.memref_slice %arg2[%dma_wait3A_126, %dma_wait3A_127] : memref<1024x64xf32, #tpu.memory_space<hbm>> -> memref<1024x64xf32, #tpu.memory_space<hbm>>
    tpu.wait_indirect_dma semaphore(%arg7 : memref<!tpu.dma_semaphore, #tpu.memory_space<semaphore_mem>>) src(%dma_wait3A_128 : memref<1024x64xf32, #tpu.memory_space<hbm>>) dst(%dma_wait3A_123 : memref<128x64xf32, #tpu.memory_space<vmem>>)
    "tpu.region"() ({
      %run_scoped3A = tpu.sem_alloc : memref<!tpu.dma_semaphore, #tpu.memory_space<semaphore_mem>>
      %dma_start3A_129 = arith.constant 0 : i32
      %dma_start3A_130 = tpu.memref_slice %arg4[%mul3A_2, %dma_start3A_129] : memref<32768x64xf32, #tpu.memory_space<hbm>> -> memref<1024x64xf32, #tpu.memory_space<hbm>>
      %dma_start3A_131 = arith.constant 0 : i32
      %dma_start3A_132 = tpu.memref_slice %arg4[%mul3A_2, %dma_start3A_131] : memref<32768x64xf32, #tpu.memory_space<hbm>> -> memref<1024x64xf32, #tpu.memory_space<hbm>>
      tpu.enqueue_dma source(%arg6 : memref<1024x64xf32, #tpu.memory_space<vmem>>) target(%dma_start3A_132 : memref<1024x64xf32, #tpu.memory_space<hbm>>) target_semaphore(%run_scoped3A : memref<!tpu.dma_semaphore, #tpu.memory_space<semaphore_mem>>)
      %dma_wait3A_133 = arith.constant 0 : i32
      %dma_wait3A_134 = tpu.memref_slice %arg4[%mul3A_2, %dma_wait3A_133] : memref<32768x64xf32, #tpu.memory_space<hbm>> -> memref<1024x64xf32, #tpu.memory_space<hbm>>
      %dma_wait3A_135 = arith.constant 0 : i32
      %dma_wait3A_136 = tpu.memref_slice %arg4[%mul3A_2, %dma_wait3A_135] : memref<32768x64xf32, #tpu.memory_space<hbm>> -> memref<1024x64xf32, #tpu.memory_space<hbm>>
      tpu.wait_dma2 semaphore(%run_scoped3A : memref<!tpu.dma_semaphore, #tpu.memory_space<semaphore_mem>>) src(%arg6 : memref<1024x64xf32, #tpu.memory_space<vmem>>) dst(%dma_wait3A_136 : memref<1024x64xf32, #tpu.memory_space<hbm>>)
      tpu.yield
    }) : () -> ()
    return
  }
}

module attributes {stable_mosaic.version = 14 : i64} {
  func.func @_argmin_body(%arg0: i32, %arg1: memref<2048x64xf32, #tpu.memory_space<vmem>>, %arg2: memref<1024x64xf32, #tpu.memory_space<vmem>>, %arg3: memref<256x4xi32, #tpu.memory_space<vmem>>, %arg4: memref<2048xi32, #tpu.memory_space<vmem>>, %arg5: memref<256x4xi32, #tpu.memory_space<vmem>>, %arg6: memref<1x1xf32, #tpu.memory_space<vmem>>, %arg7: memref<256x4xf32, #tpu.memory_space<vmem>>, %arg8: memref<1024x2048xf32, #tpu.memory_space<vmem>>, %arg9: memref<1024x2048xf32, #tpu.memory_space<vmem>>) attributes {dimension_semantics = [#tpu.dimension_semantics<arbitrary>], iteration_bounds = array<i64: 16>, scalar_prefetch = 0 : i64, scratch_operands = 3 : i64, tpu.core_type = #tpu.core_type<tc>, window_params = [{transform_indices = @transform_0, window_bounds = array<i64: 2048, 64>}, {pipeline_mode = #tpu.pipeline_mode<synchronous>, transform_indices = @transform_1, window_bounds = array<i64: 1024, 64>}, {pipeline_mode = #tpu.pipeline_mode<synchronous>, transform_indices = @transform_2, window_bounds = array<i64: 256, 4>}, {transform_indices = @transform_3, window_bounds = array<i64: 2048>}, {pipeline_mode = #tpu.pipeline_mode<synchronous>, transform_indices = @transform_4, window_bounds = array<i64: 256, 4>}, {pipeline_mode = #tpu.pipeline_mode<synchronous>, transform_indices = @transform_5, window_bounds = array<i64: 1, 1>}]} {
    %eq3A = arith.constant 0 : i32
    %eq3A_0 = arith.cmpi eq, %arg0, %eq3A : i32
    %convert_element_type3A = arith.extui %eq3A_0 : i1 to i32
    %cond3A = arith.constant 0 : i32
    %cond3A_1 = arith.cmpi ne, %convert_element_type3A, %cond3A : i32
    scf.if %cond3A_1 {
      %get3A_186 = arith.constant 0 : index
      %get3A_187 = arith.constant 0 : index
      %get3A_188 = vector.load %arg2[%get3A_186, %get3A_187] : memref<1024x64xf32, #tpu.memory_space<vmem>>, vector<256x64xf32>
      %mul3A_189 = arith.mulf %get3A_188, %get3A_188 : vector<256x64xf32>
      %reduce_sum3A = arith.constant dense<0.000000e+00> : vector<256xf32>
      %reduce_sum3A_190 = vector.multi_reduction <add>, %mul3A_189, %reduce_sum3A [1] : vector<256x64xf32> to vector<256xf32>
      %broadcast_in_dim3A_191 = vector.shape_cast %reduce_sum3A_190 : vector<256xf32> to vector<256x1xf32>
      %broadcast_in_dim3A_192 = vector.shape_cast %broadcast_in_dim3A_191 : vector<256x1xf32> to vector<256x1xf32>
      %broadcast_in_dim3A_193 = vector.broadcast %broadcast_in_dim3A_192 : vector<256x1xf32> to vector<256x2048xf32>
      %swap3A_194 = arith.constant 0 : index
      %swap3A_195 = arith.constant 0 : index
      %swap3A_196 = vector.load %arg9[%swap3A_194, %swap3A_195] : memref<1024x2048xf32, #tpu.memory_space<vmem>>, vector<256x2048xf32>
      tpu.vector_store %arg9[%swap3A_194, %swap3A_195], %broadcast_in_dim3A_193 {strides = array<i32>} : memref<1024x2048xf32, #tpu.memory_space<vmem>>, vector<256x2048xf32>,
      %get3A_197 = arith.constant 256 : index
      %get3A_198 = arith.constant 0 : index
      %get3A_199 = vector.load %arg2[%get3A_197, %get3A_198] : memref<1024x64xf32, #tpu.memory_space<vmem>>, vector<256x64xf32>
      %mul3A_200 = arith.mulf %get3A_199, %get3A_199 : vector<256x64xf32>
      %reduce_sum3A_201 = arith.constant dense<0.000000e+00> : vector<256xf32>
      %reduce_sum3A_202 = vector.multi_reduction <add>, %mul3A_200, %reduce_sum3A_201 [1] : vector<256x64xf32> to vector<256xf32>
      %broadcast_in_dim3A_203 = vector.shape_cast %reduce_sum3A_202 : vector<256xf32> to vector<256x1xf32>
      %broadcast_in_dim3A_204 = vector.shape_cast %broadcast_in_dim3A_203 : vector<256x1xf32> to vector<256x1xf32>
      %broadcast_in_dim3A_205 = vector.broadcast %broadcast_in_dim3A_204 : vector<256x1xf32> to vector<256x2048xf32>
      %swap3A_206 = arith.constant 256 : index
      %swap3A_207 = arith.constant 0 : index
      %swap3A_208 = vector.load %arg9[%swap3A_206, %swap3A_207] : memref<1024x2048xf32, #tpu.memory_space<vmem>>, vector<256x2048xf32>
      tpu.vector_store %arg9[%swap3A_206, %swap3A_207], %broadcast_in_dim3A_205 {strides = array<i32>} : memref<1024x2048xf32, #tpu.memory_space<vmem>>, vector<256x2048xf32>,
      %get3A_209 = arith.constant 512 : index
      %get3A_210 = arith.constant 0 : index
      %get3A_211 = vector.load %arg2[%get3A_209, %get3A_210] : memref<1024x64xf32, #tpu.memory_space<vmem>>, vector<256x64xf32>
      %mul3A_212 = arith.mulf %get3A_211, %get3A_211 : vector<256x64xf32>
      %reduce_sum3A_213 = arith.constant dense<0.000000e+00> : vector<256xf32>
      %reduce_sum3A_214 = vector.multi_reduction <add>, %mul3A_212, %reduce_sum3A_213 [1] : vector<256x64xf32> to vector<256xf32>
      %broadcast_in_dim3A_215 = vector.shape_cast %reduce_sum3A_214 : vector<256xf32> to vector<256x1xf32>
      %broadcast_in_dim3A_216 = vector.shape_cast %broadcast_in_dim3A_215 : vector<256x1xf32> to vector<256x1xf32>
      %broadcast_in_dim3A_217 = vector.broadcast %broadcast_in_dim3A_216 : vector<256x1xf32> to vector<256x2048xf32>
      %swap3A_218 = arith.constant 512 : index
      %swap3A_219 = arith.constant 0 : index
      %swap3A_220 = vector.load %arg9[%swap3A_218, %swap3A_219] : memref<1024x2048xf32, #tpu.memory_space<vmem>>, vector<256x2048xf32>
      tpu.vector_store %arg9[%swap3A_218, %swap3A_219], %broadcast_in_dim3A_217 {strides = array<i32>} : memref<1024x2048xf32, #tpu.memory_space<vmem>>, vector<256x2048xf32>,
      %get3A_221 = arith.constant 768 : index
      %get3A_222 = arith.constant 0 : index
      %get3A_223 = vector.load %arg2[%get3A_221, %get3A_222] : memref<1024x64xf32, #tpu.memory_space<vmem>>, vector<256x64xf32>
      %mul3A_224 = arith.mulf %get3A_223, %get3A_223 : vector<256x64xf32>
      %reduce_sum3A_225 = arith.constant dense<0.000000e+00> : vector<256xf32>
      %reduce_sum3A_226 = vector.multi_reduction <add>, %mul3A_224, %reduce_sum3A_225 [1] : vector<256x64xf32> to vector<256xf32>
      %broadcast_in_dim3A_227 = vector.shape_cast %reduce_sum3A_226 : vector<256xf32> to vector<256x1xf32>
      %broadcast_in_dim3A_228 = vector.shape_cast %broadcast_in_dim3A_227 : vector<256x1xf32> to vector<256x1xf32>
      %broadcast_in_dim3A_229 = vector.broadcast %broadcast_in_dim3A_228 : vector<256x1xf32> to vector<256x2048xf32>
      %swap3A_230 = arith.constant 768 : index
      %swap3A_231 = arith.constant 0 : index
      %swap3A_232 = vector.load %arg9[%swap3A_230, %swap3A_231] : memref<1024x2048xf32, #tpu.memory_space<vmem>>, vector<256x2048xf32>
      tpu.vector_store %arg9[%swap3A_230, %swap3A_231], %broadcast_in_dim3A_229 {strides = array<i32>} : memref<1024x2048xf32, #tpu.memory_space<vmem>>, vector<256x2048xf32>,
      %broadcast_in_dim3A_233 = arith.constant 0.000000e+00 : f32
      %broadcast_in_dim3A_234 = vector.broadcast %broadcast_in_dim3A_233 : f32 to vector<256x4xf32>
      %swap3A_235 = arith.constant 0 : index
      %swap3A_236 = arith.constant 0 : index
      %swap3A_237 = vector.load %arg7[%swap3A_235, %swap3A_236] : memref<256x4xf32, #tpu.memory_space<vmem>>, vector<256x4xf32>
      tpu.vector_store %arg7[%swap3A_235, %swap3A_236], %broadcast_in_dim3A_234 {strides = array<i32>} : memref<256x4xf32, #tpu.memory_space<vmem>>, vector<256x4xf32>,
    } else {
    }
    %get3A = arith.constant 0 : index
    %get3A_2 = arith.constant 0 : index
    %get3A_3 = vector.load %arg1[%get3A, %get3A_2] : memref<2048x64xf32, #tpu.memory_space<vmem>>, vector<2048x64xf32>
    %mul3A = arith.constant -2.000000e+00 : f32
    %mul3A_4 = vector.broadcast %mul3A : f32 to vector<2048x64xf32>
    %mul3A_5 = arith.mulf %mul3A_4, %get3A_3 : vector<2048x64xf32>
    %mul3A_6 = arith.mulf %get3A_3, %get3A_3 : vector<2048x64xf32>
    %broadcast_in_dim3A = arith.constant 1.000000e+00 : f32
    %broadcast_in_dim3A_7 = vector.broadcast %broadcast_in_dim3A : f32 to vector<1x64xf32>
    %dot_general3A = arith.constant dense<0.000000e+00> : vector<1x2048xf32>
    %dot_general3A_8 = tpu.matmul %broadcast_in_dim3A_7, %mul3A_6, %dot_general3A {dimension_numbers = #tpu.dot_dimension_numbers<[1], [1], [0], [0], [0, 0, 1, 0], [], []>, transpose_lhs_hint = false} : vector<1x64xf32>, vector<2048x64xf32>, vector<1x2048xf32> -> vector<1x2048xf32>
    %broadcast_in_dim3A_9 = arith.constant 0x7F800000 : f32
    %broadcast_in_dim3A_10 = vector.broadcast %broadcast_in_dim3A_9 : f32 to vector<1x2048xf32>
    %get3A_11 = arith.constant 0 : index
    %get3A_12 = arith.constant 0 : index
    %get3A_13 = vector.load %arg2[%get3A_11, %get3A_12] : memref<1024x64xf32, #tpu.memory_space<vmem>>, vector<256x64xf32>
    %dot_general3A_14 = arith.constant dense<0.000000e+00> : vector<256x2048xf32>
    %dot_general3A_15 = tpu.matmul %get3A_13, %mul3A_5, %dot_general3A_14 {dimension_numbers = #tpu.dot_dimension_numbers<[1], [1], [0], [0], [0, 0, 1, 0], [], []>, transpose_lhs_hint = false} : vector<256x64xf32>, vector<2048x64xf32>, vector<256x2048xf32> -> vector<256x2048xf32>
    %get3A_16 = arith.constant 0 : index
    %get3A_17 = arith.constant 0 : index
    %get3A_18 = vector.load %arg9[%get3A_16, %get3A_17] : memref<1024x2048xf32, #tpu.memory_space<vmem>>, vector<256x2048xf32>
    %add3A = vector.broadcast %dot_general3A_8 : vector<1x2048xf32> to vector<256x2048xf32>
    %add3A_19 = arith.addf %add3A, %get3A_18 : vector<256x2048xf32>
    %add3A_20 = arith.addf %add3A_19, %dot_general3A_15 : vector<256x2048xf32>
    %swap3A = arith.constant 0 : index
    %swap3A_21 = arith.constant 0 : index
    %swap3A_22 = vector.load %arg8[%swap3A, %swap3A_21] : memref<1024x2048xf32, #tpu.memory_space<vmem>>, vector<256x2048xf32>
    tpu.vector_store %arg8[%swap3A, %swap3A_21], %add3A_20 {strides = array<i32>} : memref<1024x2048xf32, #tpu.memory_space<vmem>>, vector<256x2048xf32>,
    %reduce_min3A = arith.constant dense<0x7F800000> : vector<2048xf32>
    %reduce_min3A_23 = vector.multi_reduction <minimumf>, %add3A_20, %reduce_min3A [0] : vector<256x2048xf32> to vector<2048xf32>
    %broadcast_in_dim3A_24 = vector.shape_cast %reduce_min3A_23 : vector<2048xf32> to vector<1x2048xf32>
    %min3A = arith.minimumf %broadcast_in_dim3A_10, %broadcast_in_dim3A_24 : vector<1x2048xf32>
    %get3A_25 = arith.constant 256 : index
    %get3A_26 = arith.constant 0 : index
    %get3A_27 = vector.load %arg2[%get3A_25, %get3A_26] : memref<1024x64xf32, #tpu.memory_space<vmem>>, vector<256x64xf32>
    %dot_general3A_28 = arith.constant dense<0.000000e+00> : vector<256x2048xf32>
    %dot_general3A_29 = tpu.matmul %get3A_27, %mul3A_5, %dot_general3A_28 {dimension_numbers = #tpu.dot_dimension_numbers<[1], [1], [0], [0], [0, 0, 1, 0], [], []>, transpose_lhs_hint = false} : vector<256x64xf32>, vector<2048x64xf32>, vector<256x2048xf32> -> vector<256x2048xf32>
    %get3A_30 = arith.constant 256 : index
    %get3A_31 = arith.constant 0 : index
    %get3A_32 = vector.load %arg9[%get3A_30, %get3A_31] : memref<1024x2048xf32, #tpu.memory_space<vmem>>, vector<256x2048xf32>
    %add3A_33 = vector.broadcast %dot_general3A_8 : vector<1x2048xf32> to vector<256x2048xf32>
    %add3A_34 = arith.addf %add3A_33, %get3A_32 : vector<256x2048xf32>
    %add3A_35 = arith.addf %add3A_34, %dot_general3A_29 : vector<256x2048xf32>
    %swap3A_36 = arith.constant 256 : index
    %swap3A_37 = arith.constant 0 : index
    %swap3A_38 = vector.load %arg8[%swap3A_36, %swap3A_37] : memref<1024x2048xf32, #tpu.memory_space<vmem>>, vector<256x2048xf32>
    tpu.vector_store %arg8[%swap3A_36, %swap3A_37], %add3A_35 {strides = array<i32>} : memref<1024x2048xf32, #tpu.memory_space<vmem>>, vector<256x2048xf32>,
    %reduce_min3A_39 = arith.constant dense<0x7F800000> : vector<2048xf32>
    %reduce_min3A_40 = vector.multi_reduction <minimumf>, %add3A_35, %reduce_min3A_39 [0] : vector<256x2048xf32> to vector<2048xf32>
    %broadcast_in_dim3A_41 = vector.shape_cast %reduce_min3A_40 : vector<2048xf32> to vector<1x2048xf32>
    %min3A_42 = arith.minimumf %min3A, %broadcast_in_dim3A_41 : vector<1x2048xf32>
    %get3A_43 = arith.constant 512 : index
    %get3A_44 = arith.constant 0 : index
    %get3A_45 = vector.load %arg2[%get3A_43, %get3A_44] : memref<1024x64xf32, #tpu.memory_space<vmem>>, vector<256x64xf32>
    %dot_general3A_46 = arith.constant dense<0.000000e+00> : vector<256x2048xf32>
    %dot_general3A_47 = tpu.matmul %get3A_45, %mul3A_5, %dot_general3A_46 {dimension_numbers = #tpu.dot_dimension_numbers<[1], [1], [0], [0], [0, 0, 1, 0], [], []>, transpose_lhs_hint = false} : vector<256x64xf32>, vector<2048x64xf32>, vector<256x2048xf32> -> vector<256x2048xf32>
    %get3A_48 = arith.constant 512 : index
    %get3A_49 = arith.constant 0 : index
    %get3A_50 = vector.load %arg9[%get3A_48, %get3A_49] : memref<1024x2048xf32, #tpu.memory_space<vmem>>, vector<256x2048xf32>
    %add3A_51 = vector.broadcast %dot_general3A_8 : vector<1x2048xf32> to vector<256x2048xf32>
    %add3A_52 = arith.addf %add3A_51, %get3A_50 : vector<256x2048xf32>
    %add3A_53 = arith.addf %add3A_52, %dot_general3A_47 : vector<256x2048xf32>
    %swap3A_54 = arith.constant 512 : index
    %swap3A_55 = arith.constant 0 : index
    %swap3A_56 = vector.load %arg8[%swap3A_54, %swap3A_55] : memref<1024x2048xf32, #tpu.memory_space<vmem>>, vector<256x2048xf32>
    tpu.vector_store %arg8[%swap3A_54, %swap3A_55], %add3A_53 {strides = array<i32>} : memref<1024x2048xf32, #tpu.memory_space<vmem>>, vector<256x2048xf32>,
    %reduce_min3A_57 = arith.constant dense<0x7F800000> : vector<2048xf32>
    %reduce_min3A_58 = vector.multi_reduction <minimumf>, %add3A_53, %reduce_min3A_57 [0] : vector<256x2048xf32> to vector<2048xf32>
    %broadcast_in_dim3A_59 = vector.shape_cast %reduce_min3A_58 : vector<2048xf32> to vector<1x2048xf32>
    %min3A_60 = arith.minimumf %min3A_42, %broadcast_in_dim3A_59 : vector<1x2048xf32>
    %get3A_61 = arith.constant 768 : index
    %get3A_62 = arith.constant 0 : index
    %get3A_63 = vector.load %arg2[%get3A_61, %get3A_62] : memref<1024x64xf32, #tpu.memory_space<vmem>>, vector<256x64xf32>
    %dot_general3A_64 = arith.constant dense<0.000000e+00> : vector<256x2048xf32>
    %dot_general3A_65 = tpu.matmul %get3A_63, %mul3A_5, %dot_general3A_64 {dimension_numbers = #tpu.dot_dimension_numbers<[1], [1], [0], [0], [0, 0, 1, 0], [], []>, transpose_lhs_hint = false} : vector<256x64xf32>, vector<2048x64xf32>, vector<256x2048xf32> -> vector<256x2048xf32>
    %get3A_66 = arith.constant 768 : index
    %get3A_67 = arith.constant 0 : index
    %get3A_68 = vector.load %arg9[%get3A_66, %get3A_67] : memref<1024x2048xf32, #tpu.memory_space<vmem>>, vector<256x2048xf32>
    %add3A_69 = vector.broadcast %dot_general3A_8 : vector<1x2048xf32> to vector<256x2048xf32>
    %add3A_70 = arith.addf %add3A_69, %get3A_68 : vector<256x2048xf32>
    %add3A_71 = arith.addf %add3A_70, %dot_general3A_65 : vector<256x2048xf32>
    %swap3A_72 = arith.constant 768 : index
    %swap3A_73 = arith.constant 0 : index
    %swap3A_74 = vector.load %arg8[%swap3A_72, %swap3A_73] : memref<1024x2048xf32, #tpu.memory_space<vmem>>, vector<256x2048xf32>
    tpu.vector_store %arg8[%swap3A_72, %swap3A_73], %add3A_71 {strides = array<i32>} : memref<1024x2048xf32, #tpu.memory_space<vmem>>, vector<256x2048xf32>,
    %reduce_min3A_75 = arith.constant dense<0x7F800000> : vector<2048xf32>
    %reduce_min3A_76 = vector.multi_reduction <minimumf>, %add3A_71, %reduce_min3A_75 [0] : vector<256x2048xf32> to vector<2048xf32>
    %broadcast_in_dim3A_77 = vector.shape_cast %reduce_min3A_76 : vector<2048xf32> to vector<1x2048xf32>
    %min3A_78 = arith.minimumf %min3A_60, %broadcast_in_dim3A_77 : vector<1x2048xf32>
    %broadcast_in_dim3A_79 = arith.constant 1.000000e+00 : f32
    %broadcast_in_dim3A_80 = vector.broadcast %broadcast_in_dim3A_79 : f32 to vector<2048x1xf32>
    %broadcast_in_dim3A_81 = arith.constant 1024 : i32
    %broadcast_in_dim3A_82 = vector.broadcast %broadcast_in_dim3A_81 : i32 to vector<1x2048xi32>
    %get3A_83 = arith.constant 0 : index
    %get3A_84 = arith.constant 0 : index
    %get3A_85 = vector.load %arg8[%get3A_83, %get3A_84] : memref<1024x2048xf32, #tpu.memory_space<vmem>>, vector<256x2048xf32>
    %eq3A_86 = vector.broadcast %min3A_78 : vector<1x2048xf32> to vector<256x2048xf32>
    %eq3A_87 = arith.cmpf oeq, %get3A_85, %eq3A_86 : vector<256x2048xf32>
    %iota3A = tpu.iota {dimensions = array<i32: 0>} : vector<256x2048xi32>
    %add3A_88 = arith.constant 0 : i32
    %add3A_89 = vector.broadcast %add3A_88 : i32 to vector<256x2048xi32>
    %add3A_90 = arith.addi %iota3A, %add3A_89 : vector<256x2048xi32>
    %jit3A = arith.constant 1024 : i32
    %broadcast_in_dim3A_91 = vector.broadcast %jit3A : i32 to vector<256x2048xi32>
    %select_n3A = arith.select %eq3A_87, %add3A_90, %broadcast_in_dim3A_91 : vector<256x2048xi1>, vector<256x2048xi32>
    %reduce_min3A_92 = arith.constant dense<2147483647> : vector<2048xi32>
    %reduce_min3A_93 = vector.multi_reduction <minsi>, %select_n3A, %reduce_min3A_92 [0] : vector<256x2048xi32> to vector<2048xi32>
    %broadcast_in_dim3A_94 = vector.shape_cast %reduce_min3A_93 : vector<2048xi32> to vector<1x2048xi32>
    %min3A_95 = arith.minsi %broadcast_in_dim3A_82, %broadcast_in_dim3A_94 : vector<1x2048xi32>
    %jit3A_96 = arith.constant 1.000000e+00 : f32
    %jit3A_97 = arith.constant 0.000000e+00 : f32
    %broadcast_in_dim3A_98 = vector.broadcast %jit3A_96 : f32 to vector<256x2048xf32>
    %broadcast_in_dim3A_99 = vector.broadcast %jit3A_97 : f32 to vector<256x2048xf32>
    %select_n3A_100 = arith.select %eq3A_87, %broadcast_in_dim3A_98, %broadcast_in_dim3A_99 : vector<256x2048xi1>, vector<256x2048xf32>
    %dot_general3A_101 = arith.constant dense<0.000000e+00> : vector<256x1xf32>
    %dot_general3A_102 = tpu.matmul %select_n3A_100, %broadcast_in_dim3A_80, %dot_general3A_101 {dimension_numbers = #tpu.dot_dimension_numbers<[1], [0], [0], [1], [0, 0, 1, 1], [], []>, transpose_lhs_hint = false} : vector<256x2048xf32>, vector<2048x1xf32>, vector<256x1xf32> -> vector<256x1xf32>
    %get3A_103 = arith.constant 256 : index
    %get3A_104 = arith.constant 0 : index
    %get3A_105 = vector.load %arg8[%get3A_103, %get3A_104] : memref<1024x2048xf32, #tpu.memory_space<vmem>>, vector<256x2048xf32>
    %eq3A_106 = vector.broadcast %min3A_78 : vector<1x2048xf32> to vector<256x2048xf32>
    %eq3A_107 = arith.cmpf oeq, %get3A_105, %eq3A_106 : vector<256x2048xf32>
    %iota3A_108 = tpu.iota {dimensions = array<i32: 0>} : vector<256x2048xi32>
    %add3A_109 = arith.constant 256 : i32
    %add3A_110 = vector.broadcast %add3A_109 : i32 to vector<256x2048xi32>
    %add3A_111 = arith.addi %iota3A_108, %add3A_110 : vector<256x2048xi32>
    %jit3A_112 = arith.constant 1024 : i32
    %broadcast_in_dim3A_113 = vector.broadcast %jit3A_112 : i32 to vector<256x2048xi32>
    %select_n3A_114 = arith.select %eq3A_107, %add3A_111, %broadcast_in_dim3A_113 : vector<256x2048xi1>, vector<256x2048xi32>
    %reduce_min3A_115 = arith.constant dense<2147483647> : vector<2048xi32>
    %reduce_min3A_116 = vector.multi_reduction <minsi>, %select_n3A_114, %reduce_min3A_115 [0] : vector<256x2048xi32> to vector<2048xi32>
    %broadcast_in_dim3A_117 = vector.shape_cast %reduce_min3A_116 : vector<2048xi32> to vector<1x2048xi32>
    %min3A_118 = arith.minsi %min3A_95, %broadcast_in_dim3A_117 : vector<1x2048xi32>
    %jit3A_119 = arith.constant 1.000000e+00 : f32
    %jit3A_120 = arith.constant 0.000000e+00 : f32
    %broadcast_in_dim3A_121 = vector.broadcast %jit3A_119 : f32 to vector<256x2048xf32>
    %broadcast_in_dim3A_122 = vector.broadcast %jit3A_120 : f32 to vector<256x2048xf32>
    %select_n3A_123 = arith.select %eq3A_107, %broadcast_in_dim3A_121, %broadcast_in_dim3A_122 : vector<256x2048xi1>, vector<256x2048xf32>
    %dot_general3A_124 = arith.constant dense<0.000000e+00> : vector<256x1xf32>
    %dot_general3A_125 = tpu.matmul %select_n3A_123, %broadcast_in_dim3A_80, %dot_general3A_124 {dimension_numbers = #tpu.dot_dimension_numbers<[1], [0], [0], [1], [0, 0, 1, 1], [], []>, transpose_lhs_hint = false} : vector<256x2048xf32>, vector<2048x1xf32>, vector<256x1xf32> -> vector<256x1xf32>
    %get3A_126 = arith.constant 512 : index
    %get3A_127 = arith.constant 0 : index
    %get3A_128 = vector.load %arg8[%get3A_126, %get3A_127] : memref<1024x2048xf32, #tpu.memory_space<vmem>>, vector<256x2048xf32>
    %eq3A_129 = vector.broadcast %min3A_78 : vector<1x2048xf32> to vector<256x2048xf32>
    %eq3A_130 = arith.cmpf oeq, %get3A_128, %eq3A_129 : vector<256x2048xf32>
    %iota3A_131 = tpu.iota {dimensions = array<i32: 0>} : vector<256x2048xi32>
    %add3A_132 = arith.constant 512 : i32
    %add3A_133 = vector.broadcast %add3A_132 : i32 to vector<256x2048xi32>
    %add3A_134 = arith.addi %iota3A_131, %add3A_133 : vector<256x2048xi32>
    %jit3A_135 = arith.constant 1024 : i32
    %broadcast_in_dim3A_136 = vector.broadcast %jit3A_135 : i32 to vector<256x2048xi32>
    %select_n3A_137 = arith.select %eq3A_130, %add3A_134, %broadcast_in_dim3A_136 : vector<256x2048xi1>, vector<256x2048xi32>
    %reduce_min3A_138 = arith.constant dense<2147483647> : vector<2048xi32>
    %reduce_min3A_139 = vector.multi_reduction <minsi>, %select_n3A_137, %reduce_min3A_138 [0] : vector<256x2048xi32> to vector<2048xi32>
    %broadcast_in_dim3A_140 = vector.shape_cast %reduce_min3A_139 : vector<2048xi32> to vector<1x2048xi32>
    %min3A_141 = arith.minsi %min3A_118, %broadcast_in_dim3A_140 : vector<1x2048xi32>
    %jit3A_142 = arith.constant 1.000000e+00 : f32
    %jit3A_143 = arith.constant 0.000000e+00 : f32
    %broadcast_in_dim3A_144 = vector.broadcast %jit3A_142 : f32 to vector<256x2048xf32>
    %broadcast_in_dim3A_145 = vector.broadcast %jit3A_143 : f32 to vector<256x2048xf32>
    %select_n3A_146 = arith.select %eq3A_130, %broadcast_in_dim3A_144, %broadcast_in_dim3A_145 : vector<256x2048xi1>, vector<256x2048xf32>
    %dot_general3A_147 = arith.constant dense<0.000000e+00> : vector<256x1xf32>
    %dot_general3A_148 = tpu.matmul %select_n3A_146, %broadcast_in_dim3A_80, %dot_general3A_147 {dimension_numbers = #tpu.dot_dimension_numbers<[1], [0], [0], [1], [0, 0, 1, 1], [], []>, transpose_lhs_hint = false} : vector<256x2048xf32>, vector<2048x1xf32>, vector<256x1xf32> -> vector<256x1xf32>
    %get3A_149 = arith.constant 768 : index
    %get3A_150 = arith.constant 0 : index
    %get3A_151 = vector.load %arg8[%get3A_149, %get3A_150] : memref<1024x2048xf32, #tpu.memory_space<vmem>>, vector<256x2048xf32>
    %eq3A_152 = vector.broadcast %min3A_78 : vector<1x2048xf32> to vector<256x2048xf32>
    %eq3A_153 = arith.cmpf oeq, %get3A_151, %eq3A_152 : vector<256x2048xf32>
    %iota3A_154 = tpu.iota {dimensions = array<i32: 0>} : vector<256x2048xi32>
    %add3A_155 = arith.constant 768 : i32
    %add3A_156 = vector.broadcast %add3A_155 : i32 to vector<256x2048xi32>
    %add3A_157 = arith.addi %iota3A_154, %add3A_156 : vector<256x2048xi32>
    %jit3A_158 = arith.constant 1024 : i32
    %broadcast_in_dim3A_159 = vector.broadcast %jit3A_158 : i32 to vector<256x2048xi32>
    %select_n3A_160 = arith.select %eq3A_153, %add3A_157, %broadcast_in_dim3A_159 : vector<256x2048xi1>, vector<256x2048xi32>
    %reduce_min3A_161 = arith.constant dense<2147483647> : vector<2048xi32>
    %reduce_min3A_162 = vector.multi_reduction <minsi>, %select_n3A_160, %reduce_min3A_161 [0] : vector<256x2048xi32> to vector<2048xi32>
    %broadcast_in_dim3A_163 = vector.shape_cast %reduce_min3A_162 : vector<2048xi32> to vector<1x2048xi32>
    %min3A_164 = arith.minsi %min3A_141, %broadcast_in_dim3A_163 : vector<1x2048xi32>
    %jit3A_165 = arith.constant 1.000000e+00 : f32
    %jit3A_166 = arith.constant 0.000000e+00 : f32
    %broadcast_in_dim3A_167 = vector.broadcast %jit3A_165 : f32 to vector<256x2048xf32>
    %broadcast_in_dim3A_168 = vector.broadcast %jit3A_166 : f32 to vector<256x2048xf32>
    %select_n3A_169 = arith.select %eq3A_153, %broadcast_in_dim3A_167, %broadcast_in_dim3A_168 : vector<256x2048xi1>, vector<256x2048xf32>
    %dot_general3A_170 = arith.constant dense<0.000000e+00> : vector<256x1xf32>
    %dot_general3A_171 = tpu.matmul %select_n3A_169, %broadcast_in_dim3A_80, %dot_general3A_170 {dimension_numbers = #tpu.dot_dimension_numbers<[1], [0], [0], [1], [0, 0, 1, 1], [], []>, transpose_lhs_hint = false} : vector<256x2048xf32>, vector<2048x1xf32>, vector<256x1xf32> -> vector<256x1xf32>
    %reshape3A = vector.shape_cast %min3A_164 : vector<1x2048xi32> to vector<2048xi32>
    %swap3A_172 = arith.constant 0 : index
    %swap3A_173 = vector.load %arg4[%swap3A_172] : memref<2048xi32, #tpu.memory_space<vmem>>, vector<2048xi32>
    tpu.vector_store %arg4[%swap3A_172], %reshape3A {strides = array<i32>} : memref<2048xi32, #tpu.memory_space<vmem>>, vector<2048xi32>,
    %get3A_174 = arith.constant 0 : index
    %get3A_175 = arith.constant 0 : index
    %get3A_176 = vector.load %arg7[%get3A_174, %get3A_175] : memref<256x4xf32, #tpu.memory_space<vmem>>, vector<256x4xf32>
    %concatenate3A = tpu.concatenate %dot_general3A_102, %dot_general3A_125, %dot_general3A_148, %dot_general3A_171 in 1 : vector<256x1xf32>, vector<256x1xf32>, vector<256x1xf32>, vector<256x1xf32> -> vector<256x4xf32>
    %add3A_177 = arith.addf %get3A_176, %concatenate3A : vector<256x4xf32>
    %swap3A_178 = arith.constant 0 : index
    %swap3A_179 = arith.constant 0 : index
    %swap3A_180 = vector.load %arg7[%swap3A_178, %swap3A_179] : memref<256x4xf32, #tpu.memory_space<vmem>>, vector<256x4xf32>
    tpu.vector_store %arg7[%swap3A_178, %swap3A_179], %add3A_177 {strides = array<i32>} : memref<256x4xf32, #tpu.memory_space<vmem>>, vector<256x4xf32>,
    %eq3A_181 = arith.constant 15 : i32
    %eq3A_182 = arith.cmpi eq, %arg0, %eq3A_181 : i32
    %convert_element_type3A_183 = arith.extui %eq3A_182 : i1 to i32
    %cond3A_184 = arith.constant 0 : i32
    %cond3A_185 = arith.cmpi ne, %convert_element_type3A_183, %cond3A_184 : i32
    scf.if %cond3A_185 {
      %get3A_186 = arith.constant 0 : index
      %get3A_187 = arith.constant 0 : index
      %get3A_188 = vector.load %arg7[%get3A_186, %get3A_187] : memref<256x4xf32, #tpu.memory_space<vmem>>, vector<256x4xf32>
      %get3A_189 = arith.constant 0 : index
      %get3A_190 = arith.constant 0 : index
      %get3A_191 = vector.load %arg3[%get3A_189, %get3A_190] : memref<256x4xi32, #tpu.memory_space<vmem>>, vector<256x4xi32>
      %convert_element_type3A_192 = arith.fptosi %get3A_188 : vector<256x4xf32> to vector<256x4xi32>
      %add3A_193 = arith.addi %get3A_191, %convert_element_type3A_192 : vector<256x4xi32>
      %swap3A_194 = arith.constant 0 : index
      %swap3A_195 = arith.constant 0 : index
      %swap3A_196 = vector.load %arg5[%swap3A_194, %swap3A_195] : memref<256x4xi32, #tpu.memory_space<vmem>>, vector<256x4xi32>
      tpu.vector_store %arg5[%swap3A_194, %swap3A_195], %add3A_193 {strides = array<i32>} : memref<256x4xi32, #tpu.memory_space<vmem>>, vector<256x4xi32>,
      %mul3A_197 = arith.constant 3.05175781E-5 : f32
      %mul3A_198 = vector.broadcast %mul3A_197 : f32 to vector<256x4xf32>
      %mul3A_199 = arith.mulf %get3A_188, %mul3A_198 : vector<256x4xf32>
      %add3A_200 = arith.constant 9.99999996E-13 : f32
      %add3A_201 = vector.broadcast %add3A_200 : f32 to vector<256x4xf32>
      %add3A_202 = arith.addf %mul3A_199, %add3A_201 : vector<256x4xf32>
      %log3A = math.log %add3A_202 : vector<256x4xf32>
      %mul3A_203 = arith.mulf %mul3A_199, %log3A : vector<256x4xf32>
      %reduce_sum3A = vector.shape_cast %mul3A_203 : vector<256x4xf32> to vector<1x256x4xf32>
      %reduce_sum3A_204 = arith.constant dense<0.000000e+00> : vector<1xf32>
      %reduce_sum3A_205 = vector.multi_reduction <add>, %reduce_sum3A, %reduce_sum3A_204 [1, 2] : vector<1x256x4xf32> to vector<1xf32>
      %reduce_sum3A_206 = vector.shape_cast %reduce_sum3A_205 : vector<1xf32> to vector<1x1x1xf32>
      %reduce_sum3A_207 = vector.extract %reduce_sum3A_206[0, 0, 0] : f32 from vector<1x1x1xf32>
      %broadcast_in_dim3A_208 = vector.broadcast %reduce_sum3A_207 : f32 to vector<1x1xf32>
      %neg3A = arith.constant 0.000000e+00 : f32
      %neg3A_209 = vector.broadcast %neg3A : f32 to vector<1x1xf32>
      %neg3A_210 = arith.subf %neg3A_209, %broadcast_in_dim3A_208 : vector<1x1xf32>
      %exp3A = math.exp %neg3A_210 : vector<1x1xf32>
      %swap3A_211 = arith.constant 0 : index
      %swap3A_212 = arith.constant 0 : index
      %swap3A_213 = vector.load %arg6[%swap3A_211, %swap3A_212] : memref<1x1xf32, #tpu.memory_space<vmem>>, vector<1x1xf32>
      tpu.vector_store %arg6[%swap3A_211, %swap3A_212], %exp3A {strides = array<i32>} : memref<1x1xf32, #tpu.memory_space<vmem>>, vector<1x1xf32>,
    } else {
    }
    return
  }
  func.func @transform_0(%arg0: i32) -> (i32, i32) {
    %c0_i32 = arith.constant 0 : i32
    %c0_i32_0 = arith.constant 0 : i32
    return %arg0, %c0_i32 : i32, i32
  }
  func.func @transform_1(%arg0: i32) -> (i32, i32) {
    %c0_i32 = arith.constant 0 : i32
    %c0_i32_0 = arith.constant 0 : i32
    %c0_i32_1 = arith.constant 0 : i32
    return %c0_i32, %c0_i32_0 : i32, i32
  }
  func.func @transform_2(%arg0: i32) -> (i32, i32) {
    %c0_i32 = arith.constant 0 : i32
    %c0_i32_0 = arith.constant 0 : i32
    %c0_i32_1 = arith.constant 0 : i32
    return %c0_i32, %c0_i32_0 : i32, i32
  }
  func.func @transform_3(%arg0: i32) -> i32 {
    %c0_i32 = arith.constant 0 : i32
    return %arg0 : i32
  }
  func.func @transform_4(%arg0: i32) -> (i32, i32) {
    %c0_i32 = arith.constant 0 : i32
    %c0_i32_0 = arith.constant 0 : i32
    %c0_i32_1 = arith.constant 0 : i32
    return %c0_i32, %c0_i32_0 : i32, i32
  }
  func.func @transform_5(%arg0: i32) -> (i32, i32) {
    %c0_i32 = arith.constant 0 : i32
    %c0_i32_0 = arith.constant 0 : i32
    %c0_i32_1 = arith.constant 0 : i32
    return %c0_i32, %c0_i32_0 : i32, i32
  }
}

</mosaic_0001>

<sc_bundles>
// kernel: kernel.4.cloned.1.call-start
scs
__scs_entry_jumppad:
0x0: {  	(pc) =	sbr.rel $0x88, $3  }
0x1: {  	(tag) =	ssettag $0x0;
	lr =	simm.s32 $0x1  }
0x2: {  	[smem:$0x3F9E] =	sst lr;
	_ =	strace $0xD0000000  }
0x3: {  	_ = 	snop  }
0x4: {  	_ = 	snop  }
0x5: {  	_ = 	snop  }
0x6: {  	_ = 	snop  }
0x7: {  	_ = 	snop  }
__scs_overlays_trampoline_lowered:
0x8: {  	[smem:$0x3FAD] =	sst s0  }
0x9: {  	[smem:$0x3FAE] =	sst s1  }
0xa: {  	[smem:$0x3FAF] =	sst s2  }
0xb: {  	[smem:$0x3FB0] =	sst s3  }
0xc: {  	[smem:$0x3FB1] =	sst s4  }
0xd: {  	[smem:$0x3FB2] =	sst s5  }
0xe: {  	[smem:$0x3FB3] =	sst s6  }
0xf: {  	[smem:$0x3FB4] =	sst s7  }
0x10: {  	[smem:$0x3FB5] =	sst s8  }
0x11: {  	[smem:$0x3FB6] =	sst s9;
	s0 =	simm.s32 @!p0 $0x0  }
0x12: {  	s1 =	sld [smem:$0x3F9C];
	s0 =	simm.s32 @p0 $0x1  }
0x13: {  	[smem:$0x3FB7] =	sst s0;
	s0 =	simm.s32 @!p1 $0x0  }
0x14: {  	s2 =	sld [smem:$0x3F9B];
	s0 =	simm.s32 @p1 $0x1  }
0x15: {  	[smem:$0x3FB8] =	sst s0;
	s0 =	simm.s32 @!p2 $0x0  }
0x16: {  	s3 =	sld [smem:$0x3FDB];
	s0 =	simm.s32 @p2 $0x1  }
0x17: {  	s4 =	simm.s32 $0x1BF5;
	[smem:$0x3FBA] =	sst s0  }
0x18: {  	s0 =	sld [smem:$0x3F9D];
	_ =	swait.ge [sflag:s4], $0x0  }
0x19: {  	s7 =	sld [smem:$0x3F9E]  }
0x1a: {  	s8 =	sadd.s32 $0xFFFFE003, lr  }
0x1b: {  	s9 =	sadd.s32 $0xFFFFFEF7, lr;
	s5 =	simm.s32 $0xFFFFFFFF;
	p2 =	slt.u32 s8, $0xFFFFF086  }
0x1c: {  	p1 =	slt.u32 s9, $0xF7A;
	s5 =	simm.s32 @!p2 $0x0  }
0x1d: {  	s5 =	simm.s32 @p1 $0x1;
	p0 =	seq.s32 s7, s2  }
0x1e: {  	s7 =	smul.u32 @!p0 $0xF7A, s2;
	p2 =	seq.s32 @!p0 s5, $0x0  }
0x1f: {  	s9 =	smul.u32 $0xF7A, s1;
	s8 =	simm.s32 @!p0 $0x1BF5;
	p2 =	por !p2, p0  }
0x20: {  	[sflag:s8] =	ssyncset.s32 @!p0 $0xFFFFF086;
	s6 =	sadd.s32 @!p0 s3, s7;
	s7 =	simm.s32 @!p0 $0x108  }
0x21: {  	s3 =	sadd.s32 s3, s9;
	s6 =	sadd.s32 @!p0 $0x88, s6;
	s7 =	simm.s32 @p2 $0x1082  }
0x22: {  	[simem:s7], [sflag:s8] =	dma.local @!p0 [hbm:s6], $0xF7A  }
0x23: {  	s9 =	sor.u32 $0xD0000000, s2;
	s6 =	simm.s32 $0x108;
	_ =	swait.ge @!p0 [sflag:s8], $0x0  }
0x24: {  	s3 =	sadd.s32 $0x88, s3;
	s6 =	simm.s32 @!p1 $0x1082;
	[sflag:s4] =	ssyncset.s32 $0xFFFFF086  }
0x25: {  	[simem:s6], [sflag:s4] =	dma.local [hbm:s3], $0xF7A  }
0x26: {  	[smem:$0x3F9E] =	sst s1;
	(tag) =	ssettag s2;
	_ =	strace s9  }
0x27: {  	s1 =	sld [smem:$0x3FAE]  }
0x28: {  	s2 =	sld [smem:$0x3FAF]  }
0x29: {  	s4 =	sld [smem:$0x3FB1]  }
0x2a: {  	p0 =	seq.s32 s5, $0x0;
	s5 =	sld [smem:$0x3FB2]  }
0x2b: {  	s6 =	sld [smem:$0x3FB3]  }
0x2c: {  	s7 =	sld [smem:$0x3FB4]  }
0x2d: {  	s3 =	simm.s32 $0x108;
	s8 =	sld [smem:$0x3FB5]  }
0x2e: {  	s3 =	simm.s32 @!p0 $0x1082;
	s9 =	sld [smem:$0x3FB6]  }
0x2f: {  	lr =	sadd.s32 s0, s3;
	s0 =	sld [smem:$0x3FAD]  }
0x30: {  	s3 =	sld [smem:$0x3FB0]  }
0x31: {  	[smem:$0x3FB9] =	sst s10  }
0x32: {  	s10 =	sld [smem:$0x3FB7];
	_ =	sdelay $0x3  }
0x33: {  	p0 =	seq.s32 s10, $0x1;
	s10 =	sld [smem:$0x3FB9];
	_ =	sdelay $0x3  }
0x34: {  	[smem:$0x3FB9] =	sst s10  }
0x35: {  	s10 =	sld [smem:$0x3FB8];
	_ =	sdelay $0x3  }
0x36: {  	p1 =	seq.s32 s10, $0x1;
	s10 =	sld [smem:$0x3FB9];
	_ =	sdelay $0x3  }
0x37: {  	[smem:$0x3FB9] =	sst s10  }
0x38: {  	s10 =	sld [smem:$0x3FBA]  }
0x39: {  	_ = 	snop;
	(pc) =	sbr.ind lr, $3  }
0x3a: {  	_ = 	snop  }
0x3b: {  	_ = 	snop  }
0x3c: {  	p2 =	seq.s32 s10, $0x1;
	s10 =	sld [smem:$0x3FB9]  }
0x3d: {  	_ =	shalt  }
0x3e: {  	_ =	shalt  }
0x3f: {  	_ =	shalt  }
0x40: {  	_ =	shalt  }
0x41: {  	_ =	shalt  }
0x42: {  	_ =	shalt  }
0x43: {  	_ =	shalt  }
0x44: {  	_ =	shalt  }
0x45: {  	_ =	shalt  }
0x46: {  	_ =	shalt  }
0x47: {  	_ =	shalt  }
0x48: {  	_ =	shalt  }
0x49: {  	_ =	shalt  }
0x4a: {  	_ =	shalt  }
0x4b: {  	_ =	shalt  }
0x4c: {  	_ =	shalt  }
0x4d: {  	_ =	shalt  }
0x4e: {  	_ =	shalt  }
0x4f: {  	_ =	shalt  }
0x50: {  	_ =	shalt  }
0x51: {  	_ =	shalt  }
0x52: {  	_ =	shalt  }
0x53: {  	_ =	shalt  }
0x54: {  	_ =	shalt  }
0x55: {  	_ =	shalt  }
0x56: {  	_ =	shalt  }
0x57: {  	_ =	shalt  }
0x58: {  	_ =	shalt  }
0x59: {  	_ =	shalt  }
0x5a: {  	_ =	shalt  }
0x5b: {  	_ =	shalt  }
0x5c: {  	_ =	shalt  }
0x5d: {  	_ =	shalt  }
0x5e: {  	_ =	shalt  }
0x5f: {  	_ =	shalt  }
0x60: {  	_ =	shalt  }
0x61: {  	_ =	shalt  }
0x62: {  	_ =	shalt  }
0x63: {  	_ =	shalt  }
0x64: {  	_ =	shalt  }
0x65: {  	_ =	shalt  }
0x66: {  	_ =	shalt  }
0x67: {  	_ =	shalt  }
0x68: {  	_ =	shalt  }
0x69: {  	_ =	shalt  }
0x6a: {  	_ =	shalt  }
0x6b: {  	_ =	shalt  }
0x6c: {  	_ =	shalt  }
0x6d: {  	_ =	shalt  }
0x6e: {  	_ =	shalt  }
0x6f: {  	_ =	shalt  }
0x70: {  	_ =	shalt  }
0x71: {  	_ =	shalt  }
0x72: {  	_ =	shalt  }
0x73: {  	_ =	shalt  }
0x74: {  	_ =	shalt  }
0x75: {  	_ =	shalt  }
0x76: {  	_ =	shalt  }
0x77: {  	_ =	shalt  }
0x78: {  	_ =	shalt  }
0x79: {  	_ =	shalt  }
0x7a: {  	_ =	shalt  }
0x7b: {  	_ =	shalt  }
0x7c: {  	_ =	shalt  }
0x7d: {  	_ =	shalt  }
0x7e: {  	_ =	shalt  }
0x7f: {  	_ =	shalt  }
0x80: {  	_ =	shalt  }
0x81: {  	_ =	shalt  }
0x82: {  	_ =	shalt  }
0x83: {  	_ =	shalt  }
0x84: {  	_ =	shalt  }
0x85: {  	_ =	shalt  }
0x86: {  	_ =	shalt  }
0x87: {  	_ =	shalt  }
.Lfunc_end0:
.L_simem_size_0:
called_computation_lowered:
.L_overlay_start_0:
0x88: {  	s2 =	sld [smem:$0x3FD9]  }
0x89: {  	s3 =	sld [smem:$0x3FFE];
	_ =	sdelay $0x1  }
0x8a: {  	s1 =	srdreg.scid  }
0x8b: {  	s0 =	sand.u32 $0x1, s1  }
0x8c: {  	s14 =	sshll.u32 s0, $0xA;
	s2 =	sadd.s32 s3, s2  }
0x8d: {  	s2 =	sadd.s32 s2, s14  }
0x8e: {  	[smem:$0x3FC5] =	sst s2  }
0x8f: {  	_ = 	snop  }
0x90: {  	s2 =	sld [smem:$0x3FD0];
	_ =	sdelay $0x2  }
0x91: {  	s15 =	simm.s32 $0xA;
	s4 =	simm.s32 $0x10  }
0x92: {  	[smem:s4], [sflag:s15] =	dma.local [hbm:s2], $0x1  }
0x93: {  	_ =	swait.eq [sflag:s15], $0x1  }
0x94: {  	[sflag:s15] =	ssyncset.done $0x0  }
0x95: {  	[sflag:s15] =	ssyncadd.s32 $0xFFFFFFFF  }
0x96: {  	s16 =	sld [smem:$0x10];
	(tm) =	ssettm $0x1  }
0x97: {  	s17 =	sld [smem:$0x3FFB];
	_ =	sdelay $0x3  }
0x98: {  	_ =	strace s17  }
0x99: {  	s3 =	sld [smem:$0x3FFC];
	_ =	sdelay $0x3  }
0x9a: {  	_ =	strace s3  }
0x9b: {  	s3 =	sld [smem:$0x3FFD];
	_ =	sdelay $0x3  }
0x9c: {  	_ =	strace s3  }
0x9d: {  	_ =	strace $0x8FFFFFFF  }
0x9e: {  	s18 =	sld [smem:$0x3FDB];
	_ =	sdelay $0x1  }
0x9f: {  	s19 =	simm.s32 $_scs_section_size  }
0xa0: {  	s5 =	simm.s32 $_size__tile_overlayer_lowered;
	s6 =	simm.s32 $_tile_overlayer_lowered  }
0xa1: {  	s22 =	simm.s32 $0x1BFF;
	s21 =	sshll.u32 s6, $0x1;
	s3 =	sadd.s32 s19, s18  }
0xa2: {  	s7 =	simm.s32 $0x0;
	s20 =	sshll.u32 s5, $0x1;
	s5 =	sadd.s32 s21, s3  }
0xa3: {  	[timem:s7], [sflag:s22] =	dma.local [hbm:s5], s20  }
0xa4: {  	_ =	swait.ge [sflag:s22], s20  }
0xa5: {  	s4 =	ssub.s32 $0x0, s20;
	[sflag:s22] =	ssyncset.done $0x0  }
0xa6: {  	[sflag:s22] =	ssyncadd.s32 s4;
	_ =	sdelay $0x1  }
0xa7: {  	s23 =	simm.s32 $0x1B8B  }
0xa8: {  	_ =	swait.ge [sflag:s23], $0x1  }
0xa9: {  	[sflag:s23] =	ssyncset.done $0x0  }
0xaa: {  	s25 =	simm.s32 $0x1B8E;
	s24 =	sld [smem:$0x3FFE];
	[sflag:s23] =	ssyncadd.s32 $0xFFFFFFFF  }
0xab: {  	s26 =	simm.s32 $execute0_lowered;
	[smem:$0x3FD2] =	sst s25  }
0xac: {  	s5 =	sshll.u32 s26, $0x1;
	_ =	strace $0x80000046;
	[dreg:$0x1] =	wrdreg $0xFFFFFFFF  }
0xad: {  	s28 =	simm.s32 $_size_execute0_lowered;
	s3 =	sadd.s32 s3, s5;
	[dreg:$0x0] =	wrdreg $0x0  }
0xae: {  	s5 =	sshll.u32 s28, $0x1;
	[dreg:$0x2] =	wrdreg s3  }
0xaf: {  	[dreg:$0x3] =	wrdreg s5  }
0xb0: {  	[dreg:$0x4] =	wrdreg $0xC0  }
0xb1: {  	_ =	task [dreg:s7], $0x5FFFF  }
0xb2: {  	[dreg:$0x1] =	wrdreg $0xFFFFFFFF  }
0xb3: {  	[dreg:$0x0] =	wrdreg $0x60  }
0xb4: {  	[dreg:$0x2] =	wrdreg s24  }
0xb5: {  	[dreg:$0x3] =	wrdreg s16  }
0xb6: {  	[dreg:$0x4] =	wrdreg $0x9  }
0xb7: {  	_ =	task.clear_ibuf [dreg:s7], $0x5FFFF;
	_ =	strace $0x90000046  }
0xb8: {  	s29 =	simm.s32 $0x9;
	_ =	strace $0x80000048  }
0xb9: {  	_ =	swait.ge [sflag:s29], $0x1  }
0xba: {  	[sflag:s29] =	ssyncadd.s32 $0xFFFFFFFF  }
0xbb: {  	_ =	strace $0x90000048  }
0xbc: {  	_ =	sfence  }
0xbd: {  	s30 =	sld [smem:$0x0];
	_ =	sdelay $0x2  }
0xbe: {  	s31 =	sshll.u32 s1, $0xD;
	s1 =	sshrl.u32 s1, $0x2  }
0xbf: {  	s3 =	sand.u32 $0x4000, s31;
	s1 =	sadd.s32 s1, s30  }
0xc0: {  	s0 =	sor.u32 s3, s0;
	s1 =	sshll.u32 s1, $0x11  }
0xc1: {  	s0 =	sor.u32 s1, s0  }
0xc2: {  	s0 =	sadd.s32 $0x8F2B, s0  }
0xc3: {  	[sflag:s0] =	ssyncadd.remote.s32 $0x1  }
0xc4: {  	_ =	sfence.sel $0xFFFF  }
0xc5: {  	[dreg:$0x0] =	wrdreg $0xFFFFFFFF;
	(pc) =	sbr.abs _section_cstart, $3  }
0xc6: {  	[dreg:$0x1] =	wrdreg $0xFFFFFFFF  }
0xc7: {  	_ =	task.clear_ibuf [dreg:s7], $0x2FFFF;
	_ =	strace $0x9FFFFFFF  }
0xc8: {  	(tm) =	ssettm $0x7FFFFFFF  }
0xc9: {  	_ =	shalt  }
tec
execute0_lowered:
.L_overlay_start_1:
0x0: {  	(tag) =	ssettag $0x1  }
0x1: {  	s1 =	srdreg.scid  }
0x2: {  	s0 =	stileid.u32;
	s23 =	sand.u32 $0x1, s1  }
0x3: {  	s5 =	rddreg [dreg:$0x0];
	s31 =	sshll.u32 s0, $0xB;
	s2 =	sshll.u32 s23, $0xA  }
0x4: {  	s22 =	rddreg [dreg:$0x1];
	s24 =	sor.u32 s2, s31  }
0x5: {  	s1 =	rddreg [dreg:$0x2];
	s2 =	simm.s32 $0x0;
	s3 =	sshrl.u32 s24, $0x3  }
0x6: {  	[smem:$0x7FF] =	sst s2;
	s3 =	sadd.s32 s3, s5  }
0x7: {  	_ =	strace $0x80000047;
	s4 =	sadd.s32 $0x2800, s3;
	s3 =	simm.s32 $0x2  }
0x8: {  	[tilespmem:s2], [sflag:$0x2] =	stream.linear.gather [hbm4b:s4+s2], $0x400, $0x38;
	[tilespmem:$0x10400] =	vst v63  }
0x9: {  	_ =	swait.ge [sflag:s3], $0x400  }
0xa: {  	s6 =	simm.s32 $0x80;
	[sflag:s3] =	ssyncset.done $0x0  }
0xb: {  	s7 =	simm.s32 $0x400;
	s5 =	sadd.s32 $0x800, s5;
	[sflag:s3] =	ssyncadd.s32 $0xFFFFFC00  }
0xc: {  	[tilespmem:s7], [sflag:$0x1] =	stream.indirect.gather [hbm4b:s5+s6], $0x40, s2, s6, $0xb8;
	[tilespmem:$0x10400] =	vst v63  }
0xd: {  	s8 =	simm.s32 $0x2400  }
0xe: {  	[tilespmem:s8], [sflag:$0x1] =	stream.indirect.gather [hbm4b:s5+s6], $0x40, s6, s6, $0xb8;
	[tilespmem:$0x10400] =	vst v63  }
0xf: {  	s9 =	simm.s32 $0x100;
	s10 =	simm.s32 $0x4400  }
0x10: {  	[tilespmem:s10], [sflag:$0x1] =	stream.indirect.gather [hbm4b:s5+s6], $0x40, s9, s6, $0xb8;
	[tilespmem:$0x10400] =	vst v63  }
0x11: {  	s11 =	simm.s32 $0x180;
	s12 =	simm.s32 $0x6400  }
0x12: {  	[tilespmem:s12], [sflag:$0x1] =	stream.indirect.gather [hbm4b:s5+s6], $0x40, s11, s6, $0xb8;
	[tilespmem:$0x10400] =	vst v63  }
0x13: {  	s13 =	simm.s32 $0x200;
	s14 =	simm.s32 $0x8400  }
0x14: {  	[tilespmem:s14], [sflag:$0x1] =	stream.indirect.gather [hbm4b:s5+s6], $0x40, s13, s6, $0xb8;
	[tilespmem:$0x10400] =	vst v63  }
0x15: {  	s15 =	simm.s32 $0x280;
	s16 =	simm.s32 $0xA400  }
0x16: {  	[tilespmem:s16], [sflag:$0x1] =	stream.indirect.gather [hbm4b:s5+s6], $0x40, s15, s6, $0xb8;
	[tilespmem:$0x10400] =	vst v63  }
0x17: {  	s17 =	simm.s32 $0x300;
	s18 =	simm.s32 $0xC400  }
0x18: {  	[tilespmem:s18], [sflag:$0x1] =	stream.indirect.gather [hbm4b:s5+s6], $0x40, s17, s6, $0xb8;
	[tilespmem:$0x10400] =	vst v63  }
0x19: {  	s19 =	simm.s32 $0x380;
	s20 =	simm.s32 $0xE400;
	s21 =	simm.s32 $0x1  }
0x1a: {  	[tilespmem:s20], [sflag:$0x1] =	stream.indirect.gather [hbm4b:s5+s6], $0x40, s19, s6, $0xb8;
	[tilespmem:$0x10400] =	vst v63  }
0x1b: {  	_ =	swait.ge [sflag:s21], $0x2000  }
0x1c: {  	[sflag:s21] =	ssyncset.done $0x0  }
0x1d: {  	[sflag:s21] =	ssyncadd.s32 $0xFFFFE000  }
0x1e: {  	_ =	swait.ge [sflag:s21], $0x2000  }
0x1f: {  	[sflag:s21] =	ssyncset.done $0x0  }
0x20: {  	[sflag:s21] =	ssyncadd.s32 $0xFFFFE000  }
0x21: {  	_ =	swait.ge [sflag:s21], $0x2000  }
0x22: {  	[sflag:s21] =	ssyncset.done $0x0  }
0x23: {  	[sflag:s21] =	ssyncadd.s32 $0xFFFFE000  }
0x24: {  	_ =	swait.ge [sflag:s21], $0x2000  }
0x25: {  	[sflag:s21] =	ssyncset.done $0x0  }
0x26: {  	[sflag:s21] =	ssyncadd.s32 $0xFFFFE000  }
0x27: {  	_ =	swait.ge [sflag:s21], $0x2000  }
0x28: {  	[sflag:s21] =	ssyncset.done $0x0  }
0x29: {  	[sflag:s21] =	ssyncadd.s32 $0xFFFFE000  }
0x2a: {  	_ =	swait.ge [sflag:s21], $0x2000  }
0x2b: {  	[sflag:s21] =	ssyncset.done $0x0  }
0x2c: {  	s23 =	ssub.s32 $0x2, s23;
	[sflag:s21] =	ssyncadd.s32 $0xFFFFE000  }
0x2d: {  	s25 =	sshrl.u32 s23, $0x1;
	_ =	swait.ge [sflag:s21], $0x2000  }
0x2e: {  	s23 =	ssub.s32 s23, s25;
	[sflag:s21] =	ssyncset.done $0x0  }
0x2f: {  	s23 =	smax.u32 s23, $0x1;
	[sflag:s21] =	ssyncadd.s32 $0xFFFFE000  }
0x30: {  	p0 =	sne.s32 s23, $0x1;
	_ =	swait.ge [sflag:s21], $0x2000  }
.Ltmp0:
0x31: {  	s24 =	sshll.u32 s24, $0x3;
	[sflag:s21] =	ssyncset.done $0x0;
	(pc) =	sbr.rel @!p0 .LBB2_2-.Ltmp0, $4  }
0x32: {  	s22 =	sadd.s32 s22, s24;
	[sflag:s21] =	ssyncadd.s32 $0xFFFFE000  }
0x33: {  	[hbm4b:s22+s2] =	stream.linear.scatter [tilespmem:s7], [sflag:$0x2], $0x10000, $0x38;
	[tilespmem:$0x10400] =	vst v63  }
0x34: {  	_ =	swait.ge [sflag:s3], $0x10000  }
0x35: {  	s23 =	sadd.s32 $0xFFFFFFFF, s23;
	[sflag:s3] =	ssyncset.done $0x0  }
.LBB2_1:
0x36: {  	p0 =	sne.s32 s23, $0x1;
	s23 =	sadd.s32 $0xFFFFFFFF, s23;
	[sflag:s3] =	ssyncadd.s32 $0xFFFF0000  }
0x37: {  	[tilespmem:s2], [sflag:$0x2] =	stream.linear.gather [hbm4b:s4+s2], $0x400, $0x38;
	[tilespmem:$0x10400] =	vst v63  }
0x38: {  	_ =	swait.ge [sflag:s3], $0x400  }
0x39: {  	[sflag:s3] =	ssyncset.done $0x0  }
0x3a: {  	[sflag:s3] =	ssyncadd.s32 $0xFFFFFC00  }
0x3b: {  	[tilespmem:s7], [sflag:$0x1] =	stream.indirect.gather [hbm4b:s5+s6], $0x40, s2, s6, $0xb8;
	[tilespmem:$0x10400] =	vst v63  }
0x3c: {  	_ = 	snop  }
0x3d: {  	[tilespmem:s8], [sflag:$0x1] =	stream.indirect.gather [hbm4b:s5+s6], $0x40, s6, s6, $0xb8;
	[tilespmem:$0x10400] =	vst v63  }
0x3e: {  	_ = 	snop  }
0x3f: {  	[tilespmem:s10], [sflag:$0x1] =	stream.indirect.gather [hbm4b:s5+s6], $0x40, s9, s6, $0xb8;
	[tilespmem:$0x10400] =	vst v63  }
0x40: {  	_ = 	snop  }
0x41: {  	[tilespmem:s12], [sflag:$0x1] =	stream.indirect.gather [hbm4b:s5+s6], $0x40, s11, s6, $0xb8;
	[tilespmem:$0x10400] =	vst v63  }
0x42: {  	_ = 	snop  }
0x43: {  	[tilespmem:s14], [sflag:$0x1] =	stream.indirect.gather [hbm4b:s5+s6], $0x40, s13, s6, $0xb8;
	[tilespmem:$0x10400] =	vst v63  }
0x44: {  	_ = 	snop  }
0x45: {  	[tilespmem:s16], [sflag:$0x1] =	stream.indirect.gather [hbm4b:s5+s6], $0x40, s15, s6, $0xb8;
	[tilespmem:$0x10400] =	vst v63  }
0x46: {  	_ = 	snop  }
0x47: {  	[tilespmem:s18], [sflag:$0x1] =	stream.indirect.gather [hbm4b:s5+s6], $0x40, s17, s6, $0xb8;
	[tilespmem:$0x10400] =	vst v63  }
0x48: {  	_ = 	snop  }
0x49: {  	[tilespmem:s20], [sflag:$0x1] =	stream.indirect.gather [hbm4b:s5+s6], $0x40, s19, s6, $0xb8;
	[tilespmem:$0x10400] =	vst v63  }
0x4a: {  	_ =	swait.ge [sflag:s21], $0x2000  }
0x4b: {  	[sflag:s21] =	ssyncset.done $0x0  }
0x4c: {  	[sflag:s21] =	ssyncadd.s32 $0xFFFFE000  }
0x4d: {  	_ =	swait.ge [sflag:s21], $0x2000  }
0x4e: {  	[sflag:s21] =	ssyncset.done $0x0  }
0x4f: {  	[sflag:s21] =	ssyncadd.s32 $0xFFFFE000  }
0x50: {  	_ =	swait.ge [sflag:s21], $0x2000  }
0x51: {  	[sflag:s21] =	ssyncset.done $0x0  }
0x52: {  	[sflag:s21] =	ssyncadd.s32 $0xFFFFE000  }
0x53: {  	_ =	swait.ge [sflag:s21], $0x2000  }
0x54: {  	[sflag:s21] =	ssyncset.done $0x0  }
0x55: {  	[sflag:s21] =	ssyncadd.s32 $0xFFFFE000  }
0x56: {  	_ =	swait.ge [sflag:s21], $0x2000  }
0x57: {  	[sflag:s21] =	ssyncset.done $0x0  }
0x58: {  	[sflag:s21] =	ssyncadd.s32 $0xFFFFE000  }
0x59: {  	_ =	swait.ge [sflag:s21], $0x2000  }
0x5a: {  	[sflag:s21] =	ssyncset.done $0x0  }
0x5b: {  	[sflag:s21] =	ssyncadd.s32 $0xFFFFE000  }
0x5c: {  	_ =	swait.ge [sflag:s21], $0x2000  }
0x5d: {  	[sflag:s21] =	ssyncset.done $0x0  }
0x5e: {  	[sflag:s21] =	ssyncadd.s32 $0xFFFFE000  }
0x5f: {  	_ =	swait.ge [sflag:s21], $0x2000  }
.Ltmp1:
0x60: {  	[sflag:s21] =	ssyncset.done $0x0;
	(pc) =	sbr.rel @p0 .LBB2_1-.Ltmp1, $4  }
0x61: {  	[sflag:s21] =	ssyncadd.s32 $0xFFFFE000  }
0x62: {  	[hbm4b:s22+s2] =	stream.linear.scatter [tilespmem:s7], [sflag:$0x2], $0x10000, $0x38;
	[tilespmem:$0x10400] =	vst v63  }
0x63: {  	_ =	swait.ge [sflag:s3], $0x10000  }
0x64: {  	[sflag:s3] =	ssyncset.done $0x0  }
.LBB2_2:
0x65: {  	[sflag:s3] =	ssyncadd.s32 $0xFFFF0000  }
0x66: {  	_ =	sfence.sel $0x180000  }
0x67: {  	[bflag:$0x0] =	sbarrier.arrive $0xFFFF  }
0x68: {  	p0 =	sne.s32 s0, $0x0;
	_ =	strace $0x90000047  }
0x69: {  	s0 =	sadd.s32 @!p0 $0x100000, s1;
	[bflag:$0x2] =	sbarrier.arrive $0xFFFF  }
0x6a: {  	[sflag:s0] =	ssyncadd.tile.s32 @!p0 $0x1;
	_ =	shalt  }
.Lfunc_end2:
_tile_overlayer_lowered:
.L_overlay_start_2:
0x6b: {  	(tag) =	ssettag $0x2  }
0x6c: {  	s0 =	rddreg [dreg:$0x0];
	s2 =	stileid.u32  }
0x6d: {  	s1 =	rddreg [dreg:$0x1];
	p0 =	sne.s32 s2, $0x0  }
0x6e: {  	s3 =	rddreg [dreg:$0x2];
	[bflag:$0x3] =	sbarrier.arrive $0xFFFF;
	s2 =	simm.s32 @!p0 $0x1C02  }
0x6f: {  	[timem:s3], [sflag:s2] =	dma.local @!p0 [hbm:s0], s1  }
0x70: {  	s0 =	simm.s32 @!p0 $0x2  }
0x71: {  	_ =	swait.ge @!p0 [sflag:s0], s1  }
0x72: {  	s1 =	ssub.s32 @!p0 $0x0, s1;
	[sflag:s0] =	ssyncset.done @!p0 $0x0  }
0x73: {  	[sflag:s0] =	ssyncadd.s32 @!p0 s1  }
0x74: {  	[bflag:$0x3] =	sbarrier.arrive $0xFFFF  }
0x75: {  	_ =	shalt  }

</sc_bundles>
